<compile_context>
chip_gen: v7x
topology: tpu7x:2x2x1
jax: 0.10.2.dev20260603
libtpu: 0.0.44.dev20260713+nightly
codegen_flags: <defaults>
</compile_context>

<pallas_src>
import functools

import jax
import jax.numpy as jnp
from jax import lax
from jax.experimental import pallas as pl
from jax.experimental.pallas import tpu as pltpu
from jax.experimental.pallas import tpu_sc as plsc

_RADIUS = 0.05
_S = 128
_LANES = 16


def _fps_sc(x, y, z, far0):
    B, N = x.shape
    NCH = N // _LANES

    mesh = plsc.VectorSubcoreMesh(core_axis_name="c", subcore_axis_name="s")

    @functools.partial(
        pl.kernel,
        mesh=mesh,
        compiler_params=pltpu.CompilerParams(needs_layout_passes=False),
        out_type=[jax.ShapeDtypeStruct((B, _S), jnp.float32)] * 3,
        scratch_types=[
            pltpu.VMEM((N,), jnp.float32),
            pltpu.VMEM((N,), jnp.float32),
            pltpu.VMEM((N,), jnp.float32),
            pltpu.VMEM((N,), jnp.float32),
            pltpu.VMEM((_LANES,), jnp.int32),
            pltpu.VMEM((_S,), jnp.float32),
            pltpu.VMEM((_S,), jnp.float32),
            pltpu.VMEM((_S,), jnp.float32),
        ],
    )
    def fps(x_hbm, y_hbm, z_hbm, far0_hbm, sx_hbm, sy_hbm, sz_hbm,
            xv, yv, zv, dv, f0v, sxv, syv, szv):
        nc = jax.lax.axis_size("c")
        b = lax.axis_index("s") * nc + lax.axis_index("c")
        pltpu.sync_copy(x_hbm.at[b], xv)
        pltpu.sync_copy(y_hbm.at[b], yv)
        pltpu.sync_copy(z_hbm.at[b], zv)
        pltpu.sync_copy(far0_hbm.at[b], f0v)

        lane = lax.iota(jnp.int32, _LANES)
        big = jnp.full((_LANES,), 1e10, jnp.float32)
        unroll = 2

        def init(i, _):
            base = i * (_LANES * unroll)
            for j in range(unroll):
                dv[pl.ds(pl.multiple_of(base + j * _LANES, _LANES), _LANES)] = big
            return 0

        lax.fori_loop(0, NCH // unroll, init, 0)

        far_vec0 = f0v[...]

        def outer(s, far_vec):
            cx = plsc.load_gather(xv, [far_vec])
            cy = plsc.load_gather(yv, [far_vec])
            cz = plsc.load_gather(zv, [far_vec])
            sidx = jnp.full((_LANES,), s, jnp.int32)
            m0 = lane == 0
            plsc.store_scatter(sxv, [sidx], cx, mask=m0)
            plsc.store_scatter(syv, [sidx], cy, mask=m0)
            plsc.store_scatter(szv, [sidx], cz, mask=m0)

            init_carry = (
                tuple(jnp.full((_LANES,), -1.0, jnp.float32)
                      for _ in range(unroll)),
                tuple(jnp.zeros((_LANES,), jnp.int32)
                      for _ in range(unroll)))

            @plsc.parallel_loop(0, NCH // unroll, step=1, unroll=8,
                                carry=init_carry)
            def inner(i, carry):
                ms, bcs = carry
                base = i * (_LANES * unroll)
                ms_new, bcs_new = [], []
                for j in range(unroll):
                    sl = pl.ds(pl.multiple_of(base + j * _LANES, _LANES),
                               _LANES)
                    dx = xv[sl] - cx
                    dy = yv[sl] - cy
                    dz = zv[sl] - cz
                    d = dx * dx + dy * dy + dz * dz
                    old = dv[sl]
                    nd = jnp.minimum(d, old)
                    dv[sl] = nd
                    upd = nd > ms[j]
                    ms_new.append(jnp.maximum(ms[j], nd))
                    bcs_new.append(jnp.where(
                        upd, jnp.full((_LANES,), i * unroll + j, jnp.int32),
                        bcs[j]))
                return tuple(ms_new), tuple(bcs_new)

            ms, bcs = inner
            m, bc = ms[0], bcs[0]
            for j in range(1, unroll):
                better = (ms[j] > m) | ((ms[j] == m) & (bcs[j] < bc))
                m = jnp.where(better, ms[j], m)
                bc = jnp.where(better, bcs[j], bc)
            mx = jnp.max(m)
            gi = bc * _LANES + lane
            cand = jnp.where(m == mx, gi, jnp.int32(N))
            far_new = jnp.min(cand)
            return jnp.full((_LANES,), far_new, jnp.int32)

        lax.fori_loop(0, _S, outer, far_vec0)

        pltpu.sync_copy(sxv, sx_hbm.at[b])
        pltpu.sync_copy(syv, sy_hbm.at[b])
        pltpu.sync_copy(szv, sz_hbm.at[b])

    return fps(x, y, z, far0)


def _density_tc(x, y, z, sx, sy, sz):
    B, _, N = x.shape
    rad2 = _RADIUS * _RADIUS

    def body(x_ref, y_ref, z_ref, sx_ref, sy_ref, sz_ref, acc_ref):
        b = pl.program_id(0)
        xr, yr, zr = x_ref[0], y_ref[0], z_ref[0]
        p2 = (xr * xr + yr * yr) + zr * zr
        xt = jnp.concatenate(
            [xr, yr, zr, jnp.zeros((5, N), jnp.float32)], axis=0)
        sxc, syc, szc = sx_ref[0], sy_ref[0], sz_ref[0]
        s2 = (sxc * sxc + syc * syc) + szc * szc
        sd2 = jnp.concatenate(
            [2.0 * sxc, 2.0 * syc, 2.0 * szc,
             jnp.zeros((_S, 5), jnp.float32)], axis=1)
        q = rad2 - p2
        g2 = lax.dot_general(sd2, xt, (((1,), (0,)), ((), ())),
                             preferred_element_type=jnp.float32)
        r = jnp.maximum((g2 + q) - s2, 0.0)
        den = jnp.sum(r, axis=1, keepdims=True)
        mean = jnp.sum(den) / _S
        var = jnp.sum((den - mean) ** 2) / (_S - 1)

        @pl.when(b == 0)
        def _():
            acc_ref[...] = jnp.zeros((1, 1), jnp.float32)

        acc_ref[...] += jnp.full((1, 1), var / B, jnp.float32)

    row = pl.BlockSpec((1, 1, N), lambda b: (b, 0, 0))
    col = pl.BlockSpec((1, _S, 1), lambda b: (b, 0, 0))
    return pl.pallas_call(
        body,
        grid=(B,),
        in_specs=[row, row, row, col, col, col],
        out_specs=pl.BlockSpec((1, 1), lambda b: (0, 0)),
        out_shape=jax.ShapeDtypeStruct((1, 1), jnp.float32),
    )(x, y, z, sx, sy, sz)


def kernel(pcs):
    B, N, C = pcs.shape
    x = pcs[:, :, 0]
    y = pcs[:, :, 1]
    z = pcs[:, :, 2]
    far0 = jax.random.randint(jax.random.key(1), (B,), 0, N).astype(jnp.int32)
    far0b = jnp.broadcast_to(far0[:, None], (B, _LANES))
    sx, sy, sz = _fps_sc(x, y, z, far0b)

    acc = _density_tc(
        x[:, None, :], y[:, None, :], z[:, None, :],
        sx[:, :, None], sy[:, :, None], sz[:, :, None])
    return acc[0, 0]

# --- scband reference (transcript-rebuilt; emitter-appended) ---
"""Pipeline reference for scband-patch-density-variance-90855738179773 (READ-ONLY COPY).

The authoritative reference and input builder live on the scoring server;
editing this copy changes nothing except your own understanding.
"""

import jax, jax.numpy as jnp
import numpy as np

RADIUS = 0.05
N_SEEDS = 128


def farthest_point_sample(xyz, npoint, key):
    B, N, C = xyz.shape
    farthest = jax.random.randint(key, (B,), 0, N)
    distance = jnp.full((B, N), 1e10, dtype=xyz.dtype)
    centroids = jnp.zeros((B, npoint), dtype=jnp.int32)
    batch_idx = jnp.arange(B)

    def body(i, carry):
        centroids, distance, farthest = carry
        centroids = centroids.at[:, i].set(farthest.astype(jnp.int32))
        centroid = xyz[batch_idx, farthest, :].reshape(B, 1, C)
        dist = jnp.sum((xyz - centroid) ** 2, axis=-1)
        distance = jnp.where(dist < distance, dist, distance)
        farthest = jnp.argmax(distance, axis=-1)
        return (centroids, distance, farthest)

    centroids, _, _ = jax.lax.fori_loop(0, npoint, body, (centroids, distance, farthest))
    return centroids


def setup_inputs(seed: int = 0) -> dict:
    key = jax.random.key(seed)
    pcs = jax.random.uniform(key, (32, 16384, 3), dtype=jnp.float32)
    return {"pcs": pcs}


def reference(pcs):
    B, N, C = pcs.shape
    S = N_SEEDS
    # FPS produces integer indices; no gradient flows through the selection itself,
    # matching torch semantics (long indices are non-differentiable).
    seeds = farthest_point_sample(jax.lax.stop_gradient(pcs), S, jax.random.key(1))
    # torch.stack([pc[seed] for pc, seed in zip(pcs, seeds)])
    new_xyz = jax.vmap(lambda pc, seed: pc[seed])(pcs, seeds)
    sqrdists = -2.0 * jnp.matmul(new_xyz, jnp.transpose(pcs, (0, 2, 1)))
    sqrdists = sqrdists + jnp.sum(new_xyz ** 2, axis=-1).reshape(B, S, 1)
    sqrdists = sqrdists + jnp.sum(pcs ** 2, axis=-1).reshape(B, 1, N)
    relu_dists = jax.nn.relu(RADIUS ** 2 - sqrdists)
    den_mat = jnp.sum(relu_dists, axis=2)
    # torch.var defaults to unbiased (ddof=1)
    den_var = jnp.var(den_mat, axis=1, ddof=1).mean()
    return den_var

if __name__ == "__main__":
    import jax
    _d = setup_inputs()
    print(jax.jit(kernel)(*tuple(_d.values())))

</pallas_src>

<mosaic_0001>
#map = affine_map<(d0, d1) -> (0, 0)>
module attributes {stable_mosaic.version = 14 : i64} {
  func.func @fps(%arg0: i32, %arg1: i32, %arg2: memref<32x16384xf32, #tpu.memory_space<hbm>>, %arg3: memref<32x16384xf32, #tpu.memory_space<hbm>>, %arg4: memref<32x16384xf32, #tpu.memory_space<hbm>>, %arg5: memref<32x16xi32, #tpu.memory_space<hbm>>, %arg6: memref<32x128xf32, #tpu.memory_space<hbm>>, %arg7: memref<32x128xf32, #tpu.memory_space<hbm>>, %arg8: memref<32x128xf32, #tpu.memory_space<hbm>>, %arg9: memref<16384xf32, #tpu.memory_space<vmem>>, %arg10: memref<16384xf32, #tpu.memory_space<vmem>>, %arg11: memref<16384xf32, #tpu.memory_space<vmem>>, %arg12: memref<16384xf32, #tpu.memory_space<vmem>>, %arg13: memref<16xi32, #tpu.memory_space<vmem>>, %arg14: memref<128xf32, #tpu.memory_space<vmem>>, %arg15: memref<128xf32, #tpu.memory_space<vmem>>, %arg16: memref<128xf32, #tpu.memory_space<vmem>>) attributes {dimension_semantics = [#tpu.dimension_semantics<core_parallel>, #tpu.dimension_semantics<subcore_parallel>], iteration_bounds = array<i64: 2, 16>, scalar_prefetch = 0 : i64, scratch_operands = 8 : i64, tpu.core_type = #tpu.core_type<sc_vector_subcore>, window_params = [{transform_indices = #map}, {transform_indices = #map}, {transform_indices = #map}, {transform_indices = #map}, {transform_indices = #map}, {transform_indices = #map}, {transform_indices = #map}]} {
    %mul3A = arith.constant 2 : i32
    %mul3A_0 = arith.muli %arg1, %mul3A : i32
    %add3A = arith.addi %mul3A_0, %arg0 : i32
    "tpu.region"() ({
      %run_scoped3A = tpu.sem_alloc : memref<!tpu.dma_semaphore, #tpu.memory_space<semaphore_mem>>
      %dma_start3A = arith.constant 0 : i32
      %dma_start3A_15 = tpu.memref_slice %arg2[%add3A, %dma_start3A] : memref<32x16384xf32, #tpu.memory_space<hbm>> -> memref<1x16384xf32, #tpu.memory_space<hbm>>
      %dma_start3A_16 = tpu.memref_squeeze %dma_start3A_15 : memref<1x16384xf32, #tpu.memory_space<hbm>> -> memref<16384xf32, #tpu.memory_space<hbm>>
      %dma_start3A_17 = arith.constant 0 : i32
      %dma_start3A_18 = tpu.memref_slice %arg2[%add3A, %dma_start3A_17] : memref<32x16384xf32, #tpu.memory_space<hbm>> -> memref<1x16384xf32, #tpu.memory_space<hbm>>
      %dma_start3A_19 = tpu.memref_squeeze %dma_start3A_18 : memref<1x16384xf32, #tpu.memory_space<hbm>> -> memref<16384xf32, #tpu.memory_space<hbm>>
      tpu.enqueue_dma source(%dma_start3A_19 : memref<16384xf32, #tpu.memory_space<hbm>>) target(%arg9 : memref<16384xf32, #tpu.memory_space<vmem>>) target_semaphore(%run_scoped3A : memref<!tpu.dma_semaphore, #tpu.memory_space<semaphore_mem>>)
      %dma_wait3A = arith.constant 0 : i32
      %dma_wait3A_20 = tpu.memref_slice %arg2[%add3A, %dma_wait3A] : memref<32x16384xf32, #tpu.memory_space<hbm>> -> memref<1x16384xf32, #tpu.memory_space<hbm>>
      %dma_wait3A_21 = tpu.memref_squeeze %dma_wait3A_20 : memref<1x16384xf32, #tpu.memory_space<hbm>> -> memref<16384xf32, #tpu.memory_space<hbm>>
      %dma_wait3A_22 = arith.constant 0 : i32
      %dma_wait3A_23 = tpu.memref_slice %arg2[%add3A, %dma_wait3A_22] : memref<32x16384xf32, #tpu.memory_space<hbm>> -> memref<1x16384xf32, #tpu.memory_space<hbm>>
      %dma_wait3A_24 = tpu.memref_squeeze %dma_wait3A_23 : memref<1x16384xf32, #tpu.memory_space<hbm>> -> memref<16384xf32, #tpu.memory_space<hbm>>
      tpu.wait_dma2 semaphore(%run_scoped3A : memref<!tpu.dma_semaphore, #tpu.memory_space<semaphore_mem>>) src(%dma_wait3A_24 : memref<16384xf32, #tpu.memory_space<hbm>>) dst(%arg9 : memref<16384xf32, #tpu.memory_space<vmem>>)
      tpu.yield
    }) : () -> ()
    "tpu.region"() ({
      %run_scoped3A = tpu.sem_alloc : memref<!tpu.dma_semaphore, #tpu.memory_space<semaphore_mem>>
      %dma_start3A = arith.constant 0 : i32
      %dma_start3A_15 = tpu.memref_slice %arg3[%add3A, %dma_start3A] : memref<32x16384xf32, #tpu.memory_space<hbm>> -> memref<1x16384xf32, #tpu.memory_space<hbm>>
      %dma_start3A_16 = tpu.memref_squeeze %dma_start3A_15 : memref<1x16384xf32, #tpu.memory_space<hbm>> -> memref<16384xf32, #tpu.memory_space<hbm>>
      %dma_start3A_17 = arith.constant 0 : i32
      %dma_start3A_18 = tpu.memref_slice %arg3[%add3A, %dma_start3A_17] : memref<32x16384xf32, #tpu.memory_space<hbm>> -> memref<1x16384xf32, #tpu.memory_space<hbm>>
      %dma_start3A_19 = tpu.memref_squeeze %dma_start3A_18 : memref<1x16384xf32, #tpu.memory_space<hbm>> -> memref<16384xf32, #tpu.memory_space<hbm>>
      tpu.enqueue_dma source(%dma_start3A_19 : memref<16384xf32, #tpu.memory_space<hbm>>) target(%arg10 : memref<16384xf32, #tpu.memory_space<vmem>>) target_semaphore(%run_scoped3A : memref<!tpu.dma_semaphore, #tpu.memory_space<semaphore_mem>>)
      %dma_wait3A = arith.constant 0 : i32
      %dma_wait3A_20 = tpu.memref_slice %arg3[%add3A, %dma_wait3A] : memref<32x16384xf32, #tpu.memory_space<hbm>> -> memref<1x16384xf32, #tpu.memory_space<hbm>>
      %dma_wait3A_21 = tpu.memref_squeeze %dma_wait3A_20 : memref<1x16384xf32, #tpu.memory_space<hbm>> -> memref<16384xf32, #tpu.memory_space<hbm>>
      %dma_wait3A_22 = arith.constant 0 : i32
      %dma_wait3A_23 = tpu.memref_slice %arg3[%add3A, %dma_wait3A_22] : memref<32x16384xf32, #tpu.memory_space<hbm>> -> memref<1x16384xf32, #tpu.memory_space<hbm>>
      %dma_wait3A_24 = tpu.memref_squeeze %dma_wait3A_23 : memref<1x16384xf32, #tpu.memory_space<hbm>> -> memref<16384xf32, #tpu.memory_space<hbm>>
      tpu.wait_dma2 semaphore(%run_scoped3A : memref<!tpu.dma_semaphore, #tpu.memory_space<semaphore_mem>>) src(%dma_wait3A_24 : memref<16384xf32, #tpu.memory_space<hbm>>) dst(%arg10 : memref<16384xf32, #tpu.memory_space<vmem>>)
      tpu.yield
    }) : () -> ()
    "tpu.region"() ({
      %run_scoped3A = tpu.sem_alloc : memref<!tpu.dma_semaphore, #tpu.memory_space<semaphore_mem>>
      %dma_start3A = arith.constant 0 : i32
      %dma_start3A_15 = tpu.memref_slice %arg4[%add3A, %dma_start3A] : memref<32x16384xf32, #tpu.memory_space<hbm>> -> memref<1x16384xf32, #tpu.memory_space<hbm>>
      %dma_start3A_16 = tpu.memref_squeeze %dma_start3A_15 : memref<1x16384xf32, #tpu.memory_space<hbm>> -> memref<16384xf32, #tpu.memory_space<hbm>>
      %dma_start3A_17 = arith.constant 0 : i32
      %dma_start3A_18 = tpu.memref_slice %arg4[%add3A, %dma_start3A_17] : memref<32x16384xf32, #tpu.memory_space<hbm>> -> memref<1x16384xf32, #tpu.memory_space<hbm>>
      %dma_start3A_19 = tpu.memref_squeeze %dma_start3A_18 : memref<1x16384xf32, #tpu.memory_space<hbm>> -> memref<16384xf32, #tpu.memory_space<hbm>>
      tpu.enqueue_dma source(%dma_start3A_19 : memref<16384xf32, #tpu.memory_space<hbm>>) target(%arg11 : memref<16384xf32, #tpu.memory_space<vmem>>) target_semaphore(%run_scoped3A : memref<!tpu.dma_semaphore, #tpu.memory_space<semaphore_mem>>)
      %dma_wait3A = arith.constant 0 : i32
      %dma_wait3A_20 = tpu.memref_slice %arg4[%add3A, %dma_wait3A] : memref<32x16384xf32, #tpu.memory_space<hbm>> -> memref<1x16384xf32, #tpu.memory_space<hbm>>
      %dma_wait3A_21 = tpu.memref_squeeze %dma_wait3A_20 : memref<1x16384xf32, #tpu.memory_space<hbm>> -> memref<16384xf32, #tpu.memory_space<hbm>>
      %dma_wait3A_22 = arith.constant 0 : i32
      %dma_wait3A_23 = tpu.memref_slice %arg4[%add3A, %dma_wait3A_22] : memref<32x16384xf32, #tpu.memory_space<hbm>> -> memref<1x16384xf32, #tpu.memory_space<hbm>>
      %dma_wait3A_24 = tpu.memref_squeeze %dma_wait3A_23 : memref<1x16384xf32, #tpu.memory_space<hbm>> -> memref<16384xf32, #tpu.memory_space<hbm>>
      tpu.wait_dma2 semaphore(%run_scoped3A : memref<!tpu.dma_semaphore, #tpu.memory_space<semaphore_mem>>) src(%dma_wait3A_24 : memref<16384xf32, #tpu.memory_space<hbm>>) dst(%arg11 : memref<16384xf32, #tpu.memory_space<vmem>>)
      tpu.yield
    }) : () -> ()
    "tpu.region"() ({
      %run_scoped3A = tpu.sem_alloc : memref<!tpu.dma_semaphore, #tpu.memory_space<semaphore_mem>>
      %dma_start3A = arith.constant 0 : i32
      %dma_start3A_15 = tpu.memref_slice %arg5[%add3A, %dma_start3A] : memref<32x16xi32, #tpu.memory_space<hbm>> -> memref<1x16xi32, #tpu.memory_space<hbm>>
      %dma_start3A_16 = tpu.memref_squeeze %dma_start3A_15 : memref<1x16xi32, #tpu.memory_space<hbm>> -> memref<16xi32, #tpu.memory_space<hbm>>
      %dma_start3A_17 = arith.constant 0 : i32
      %dma_start3A_18 = tpu.memref_slice %arg5[%add3A, %dma_start3A_17] : memref<32x16xi32, #tpu.memory_space<hbm>> -> memref<1x16xi32, #tpu.memory_space<hbm>>
      %dma_start3A_19 = tpu.memref_squeeze %dma_start3A_18 : memref<1x16xi32, #tpu.memory_space<hbm>> -> memref<16xi32, #tpu.memory_space<hbm>>
      tpu.enqueue_dma source(%dma_start3A_19 : memref<16xi32, #tpu.memory_space<hbm>>) target(%arg13 : memref<16xi32, #tpu.memory_space<vmem>>) target_semaphore(%run_scoped3A : memref<!tpu.dma_semaphore, #tpu.memory_space<semaphore_mem>>)
      %dma_wait3A = arith.constant 0 : i32
      %dma_wait3A_20 = tpu.memref_slice %arg5[%add3A, %dma_wait3A] : memref<32x16xi32, #tpu.memory_space<hbm>> -> memref<1x16xi32, #tpu.memory_space<hbm>>
      %dma_wait3A_21 = tpu.memref_squeeze %dma_wait3A_20 : memref<1x16xi32, #tpu.memory_space<hbm>> -> memref<16xi32, #tpu.memory_space<hbm>>
      %dma_wait3A_22 = arith.constant 0 : i32
      %dma_wait3A_23 = tpu.memref_slice %arg5[%add3A, %dma_wait3A_22] : memref<32x16xi32, #tpu.memory_space<hbm>> -> memref<1x16xi32, #tpu.memory_space<hbm>>
      %dma_wait3A_24 = tpu.memref_squeeze %dma_wait3A_23 : memref<1x16xi32, #tpu.memory_space<hbm>> -> memref<16xi32, #tpu.memory_space<hbm>>
      tpu.wait_dma2 semaphore(%run_scoped3A : memref<!tpu.dma_semaphore, #tpu.memory_space<semaphore_mem>>) src(%dma_wait3A_24 : memref<16xi32, #tpu.memory_space<hbm>>) dst(%arg13 : memref<16xi32, #tpu.memory_space<vmem>>)
      tpu.yield
    }) : () -> ()
    %iota3A = tpu.iota {dimensions = array<i32: 0>} : vector<16xi32>
    %broadcast_in_dim3A = arith.constant 1.000000e+10 : f32
    %broadcast_in_dim3A_1 = vector.broadcast %broadcast_in_dim3A : f32 to vector<16xf32>
    %scan3A = arith.constant 0 : i32
    %scan3A_2 = arith.constant 0 : i32
    %scan3A_3 = arith.constant 512 : i32
    %scan3A_4 = arith.addi %scan3A_2, %scan3A_3 : i32
    %scan3A_5 = arith.constant 1 : i32
    %scan3A_6 = scf.for %scan3A_15 = %scan3A_2 to %scan3A_4 step %scan3A_5 iter_args(%scan3A_16 = %scan3A) -> (i32)  : i32 {
      %mul3A_17 = arith.constant 32 : i32
      %mul3A_18 = arith.muli %scan3A_15, %mul3A_17 : i32
      %add3A_19 = arith.constant 0 : i32
      %add3A_20 = arith.addi %mul3A_18, %add3A_19 : i32
      %multiple_of3A = tpu.assume_multiple %add3A_20, 16 : i32
      %swap3A = arith.index_cast %multiple_of3A : i32 to index
      %swap3A_21 = tpu.vector_load %arg12[%swap3A] {strides = array<i32>} : memref<16384xf32, #tpu.memory_space<vmem>>, vector<16xf32>,
      tpu.vector_store %arg12[%swap3A], %broadcast_in_dim3A_1 {strides = array<i32>} : memref<16384xf32, #tpu.memory_space<vmem>>, vector<16xf32>,
      %add3A_22 = arith.constant 16 : i32
      %add3A_23 = arith.addi %mul3A_18, %add3A_22 : i32
      %multiple_of3A_24 = tpu.assume_multiple %add3A_23, 16 : i32
      %swap3A_25 = arith.index_cast %multiple_of3A_24 : i32 to index
      %swap3A_26 = tpu.vector_load %arg12[%swap3A_25] {strides = array<i32>} : memref<16384xf32, #tpu.memory_space<vmem>>, vector<16xf32>,
      tpu.vector_store %arg12[%swap3A_25], %broadcast_in_dim3A_1 {strides = array<i32>} : memref<16384xf32, #tpu.memory_space<vmem>>, vector<16xf32>,
      %scan3A_27 = arith.constant 0 : i32
      scf.yield %scan3A_27 : i32
    }
    %scan3A_7 = arith.constant 512 : i32
    %get3A = arith.constant 0 : index
    %get3A_8 = tpu.vector_load %arg13[%get3A] {strides = array<i32>} : memref<16xi32, #tpu.memory_space<vmem>>, vector<16xi32>,
    %scan3A_9 = arith.constant 0 : i32
    %scan3A_10 = arith.constant 128 : i32
    %scan3A_11 = arith.addi %scan3A_9, %scan3A_10 : i32
    %scan3A_12 = arith.constant 1 : i32
    %scan3A_13 = scf.for %scan3A_15 = %scan3A_9 to %scan3A_11 step %scan3A_12 iter_args(%scan3A_16 = %get3A_8) -> (vector<16xi32>)  : i32 {
      %gather3A = tpu.vector_load_idx %arg9[%scan3A_16] : memref<16384xf32, #tpu.memory_space<vmem>>[vector<16xi32>], vector<16xf32>,
      %gather3A_17 = tpu.vector_load_idx %arg10[%scan3A_16] : memref<16384xf32, #tpu.memory_space<vmem>>[vector<16xi32>], vector<16xf32>,
      %gather3A_18 = tpu.vector_load_idx %arg11[%scan3A_16] : memref<16384xf32, #tpu.memory_space<vmem>>[vector<16xi32>], vector<16xf32>,
      %broadcast_in_dim3A_19 = vector.broadcast %scan3A_15 : i32 to vector<16xi32>
      %eq3A = arith.constant 0 : i32
      %eq3A_20 = vector.broadcast %eq3A : i32 to vector<16xi32>
      %eq3A_21 = arith.cmpi eq, %iota3A, %eq3A_20 : vector<16xi32>
      tpu.vector_store_idx %arg14[%broadcast_in_dim3A_19], %gather3A masked %eq3A_21 : memref<128xf32, #tpu.memory_space<vmem>>[vector<16xi32>], vector<16xf32>, vector<16xi1>
      tpu.vector_store_idx %arg15[%broadcast_in_dim3A_19], %gather3A_17 masked %eq3A_21 : memref<128xf32, #tpu.memory_space<vmem>>[vector<16xi32>], vector<16xf32>, vector<16xi1>
      tpu.vector_store_idx %arg16[%broadcast_in_dim3A_19], %gather3A_18 masked %eq3A_21 : memref<128xf32, #tpu.memory_space<vmem>>[vector<16xi32>], vector<16xf32>, vector<16xi1>
      %broadcast_in_dim3A_22 = arith.constant -1.000000e+00 : f32
      %broadcast_in_dim3A_23 = vector.broadcast %broadcast_in_dim3A_22 : f32 to vector<16xf32>
      %broadcast_in_dim3A_24 = arith.constant -1.000000e+00 : f32
      %broadcast_in_dim3A_25 = vector.broadcast %broadcast_in_dim3A_24 : f32 to vector<16xf32>
      %broadcast_in_dim3A_26 = arith.constant 0 : i32
      %broadcast_in_dim3A_27 = vector.broadcast %broadcast_in_dim3A_26 : i32 to vector<16xi32>
      %broadcast_in_dim3A_28 = arith.constant 0 : i32
      %broadcast_in_dim3A_29 = vector.broadcast %broadcast_in_dim3A_28 : i32 to vector<16xi32>
      %parallel_loop3A = arith.constant 0 : i32
      %parallel_loop3A_30 = arith.constant 512 : i32
      %parallel_loop3A_31 = arith.constant 1 : i32
      %parallel_loop3A_32:4 = scf.for %parallel_loop3A_54 = %parallel_loop3A to %parallel_loop3A_30 step %parallel_loop3A_31 iter_args(%parallel_loop3A_55 = %broadcast_in_dim3A_23, %parallel_loop3A_56 = %broadcast_in_dim3A_25, %parallel_loop3A_57 = %broadcast_in_dim3A_27, %parallel_loop3A_58 = %broadcast_in_dim3A_29) -> (vector<16xf32>, vector<16xf32>, vector<16xi32>, vector<16xi32>)  : i32 {
        %parallel_loop3A_59 = arith.constant 32 : i32
        %parallel_loop3A_60 = arith.muli %parallel_loop3A_54, %parallel_loop3A_59 : i32
        %parallel_loop3A_61 = arith.constant 0 : i32
        %parallel_loop3A_62 = arith.addi %parallel_loop3A_60, %parallel_loop3A_61 : i32
        %parallel_loop3A_63 = tpu.assume_multiple %parallel_loop3A_62, 16 : i32
        %parallel_loop3A_64 = arith.index_cast %parallel_loop3A_63 : i32 to index
        %parallel_loop3A_65 = tpu.vector_load %arg9[%parallel_loop3A_64] {strides = array<i32>} : memref<16384xf32, #tpu.memory_space<vmem>>, vector<16xf32>,
        %parallel_loop3A_66 = arith.subf %parallel_loop3A_65, %gather3A : vector<16xf32>
        %parallel_loop3A_67 = arith.index_cast %parallel_loop3A_63 : i32 to index
        %parallel_loop3A_68 = tpu.vector_load %arg10[%parallel_loop3A_67] {strides = array<i32>} : memref<16384xf32, #tpu.memory_space<vmem>>, vector<16xf32>,
        %parallel_loop3A_69 = arith.subf %parallel_loop3A_68, %gather3A_17 : vector<16xf32>
        %parallel_loop3A_70 = arith.index_cast %parallel_loop3A_63 : i32 to index
        %parallel_loop3A_71 = tpu.vector_load %arg11[%parallel_loop3A_70] {strides = array<i32>} : memref<16384xf32, #tpu.memory_space<vmem>>, vector<16xf32>,
        %parallel_loop3A_72 = arith.subf %parallel_loop3A_71, %gather3A_18 : vector<16xf32>
        %parallel_loop3A_73 = arith.mulf %parallel_loop3A_66, %parallel_loop3A_66 : vector<16xf32>
        %parallel_loop3A_74 = arith.mulf %parallel_loop3A_69, %parallel_loop3A_69 : vector<16xf32>
        %parallel_loop3A_75 = arith.addf %parallel_loop3A_73, %parallel_loop3A_74 : vector<16xf32>
        %parallel_loop3A_76 = arith.mulf %parallel_loop3A_72, %parallel_loop3A_72 : vector<16xf32>
        %parallel_loop3A_77 = arith.addf %parallel_loop3A_75, %parallel_loop3A_76 : vector<16xf32>
        %parallel_loop3A_78 = arith.index_cast %parallel_loop3A_63 : i32 to index
        %parallel_loop3A_79 = tpu.vector_load %arg12[%parallel_loop3A_78] {strides = array<i32>} : memref<16384xf32, #tpu.memory_space<vmem>>, vector<16xf32>,
        %parallel_loop3A_80 = arith.minimumf %parallel_loop3A_77, %parallel_loop3A_79 : vector<16xf32>
        %parallel_loop3A_81 = arith.index_cast %parallel_loop3A_63 : i32 to index
        %parallel_loop3A_82 = tpu.vector_load %arg12[%parallel_loop3A_81] {strides = array<i32>} : memref<16384xf32, #tpu.memory_space<vmem>>, vector<16xf32>,
        tpu.vector_store %arg12[%parallel_loop3A_81], %parallel_loop3A_80 {strides = array<i32>} : memref<16384xf32, #tpu.memory_space<vmem>>, vector<16xf32>,
        %parallel_loop3A_83 = arith.cmpf ogt, %parallel_loop3A_80, %parallel_loop3A_55 : vector<16xf32>
        %parallel_loop3A_84 = arith.maximumf %parallel_loop3A_55, %parallel_loop3A_80 : vector<16xf32>
        %parallel_loop3A_85 = arith.constant 2 : i32
        %parallel_loop3A_86 = arith.muli %parallel_loop3A_54, %parallel_loop3A_85 : i32
        %parallel_loop3A_87 = arith.constant 0 : i32
        %parallel_loop3A_88 = arith.addi %parallel_loop3A_86, %parallel_loop3A_87 : i32
        %parallel_loop3A_89 = vector.broadcast %parallel_loop3A_88 : i32 to vector<16xi32>
        %parallel_loop3A_90 = arith.select %parallel_loop3A_83, %parallel_loop3A_89, %parallel_loop3A_57 : vector<16xi1>, vector<16xi32>
        %parallel_loop3A_91 = arith.constant 16 : i32
        %parallel_loop3A_92 = arith.addi %parallel_loop3A_60, %parallel_loop3A_91 : i32
        %parallel_loop3A_93 = tpu.assume_multiple %parallel_loop3A_92, 16 : i32
        %parallel_loop3A_94 = arith.index_cast %parallel_loop3A_93 : i32 to index
        %parallel_loop3A_95 = tpu.vector_load %arg9[%parallel_loop3A_94] {strides = array<i32>} : memref<16384xf32, #tpu.memory_space<vmem>>, vector<16xf32>,
        %parallel_loop3A_96 = arith.subf %parallel_loop3A_95, %gather3A : vector<16xf32>
        %parallel_loop3A_97 = arith.index_cast %parallel_loop3A_93 : i32 to index
        %parallel_loop3A_98 = tpu.vector_load %arg10[%parallel_loop3A_97] {strides = array<i32>} : memref<16384xf32, #tpu.memory_space<vmem>>, vector<16xf32>,
        %parallel_loop3A_99 = arith.subf %parallel_loop3A_98, %gather3A_17 : vector<16xf32>
        %parallel_loop3A_100 = arith.index_cast %parallel_loop3A_93 : i32 to index
        %parallel_loop3A_101 = tpu.vector_load %arg11[%parallel_loop3A_100] {strides = array<i32>} : memref<16384xf32, #tpu.memory_space<vmem>>, vector<16xf32>,
        %parallel_loop3A_102 = arith.subf %parallel_loop3A_101, %gather3A_18 : vector<16xf32>
        %parallel_loop3A_103 = arith.mulf %parallel_loop3A_96, %parallel_loop3A_96 : vector<16xf32>
        %parallel_loop3A_104 = arith.mulf %parallel_loop3A_99, %parallel_loop3A_99 : vector<16xf32>
        %parallel_loop3A_105 = arith.addf %parallel_loop3A_103, %parallel_loop3A_104 : vector<16xf32>
        %parallel_loop3A_106 = arith.mulf %parallel_loop3A_102, %parallel_loop3A_102 : vector<16xf32>
        %parallel_loop3A_107 = arith.addf %parallel_loop3A_105, %parallel_loop3A_106 : vector<16xf32>
        %parallel_loop3A_108 = arith.index_cast %parallel_loop3A_93 : i32 to index
        %parallel_loop3A_109 = tpu.vector_load %arg12[%parallel_loop3A_108] {strides = array<i32>} : memref<16384xf32, #tpu.memory_space<vmem>>, vector<16xf32>,
        %parallel_loop3A_110 = arith.minimumf %parallel_loop3A_107, %parallel_loop3A_109 : vector<16xf32>
        %parallel_loop3A_111 = arith.index_cast %parallel_loop3A_93 : i32 to index
        %parallel_loop3A_112 = tpu.vector_load %arg12[%parallel_loop3A_111] {strides = array<i32>} : memref<16384xf32, #tpu.memory_space<vmem>>, vector<16xf32>,
        tpu.vector_store %arg12[%parallel_loop3A_111], %parallel_loop3A_110 {strides = array<i32>} : memref<16384xf32, #tpu.memory_space<vmem>>, vector<16xf32>,
        %parallel_loop3A_113 = arith.cmpf ogt, %parallel_loop3A_110, %parallel_loop3A_56 : vector<16xf32>
        %parallel_loop3A_114 = arith.maximumf %parallel_loop3A_56, %parallel_loop3A_110 : vector<16xf32>
        %parallel_loop3A_115 = arith.constant 2 : i32
        %parallel_loop3A_116 = arith.muli %parallel_loop3A_54, %parallel_loop3A_115 : i32
        %parallel_loop3A_117 = arith.constant 1 : i32
        %parallel_loop3A_118 = arith.addi %parallel_loop3A_116, %parallel_loop3A_117 : i32
        %parallel_loop3A_119 = vector.broadcast %parallel_loop3A_118 : i32 to vector<16xi32>
        %parallel_loop3A_120 = arith.select %parallel_loop3A_113, %parallel_loop3A_119, %parallel_loop3A_58 : vector<16xi1>, vector<16xi32>
        scf.yield %parallel_loop3A_84, %parallel_loop3A_114, %parallel_loop3A_90, %parallel_loop3A_120 : vector<16xf32>, vector<16xf32>, vector<16xi32>, vector<16xi32>
      } {sc.loop_unroll_factor = 8 : i64, sc.parallel_access}
      %gt3A = arith.cmpf ogt, %parallel_loop3A_32#1, %parallel_loop3A_32#0 : vector<16xf32>
      %eq3A_33 = arith.cmpf oeq, %parallel_loop3A_32#1, %parallel_loop3A_32#0 : vector<16xf32>
      %lt3A = arith.cmpi slt, %parallel_loop3A_32#3, %parallel_loop3A_32#2 : vector<16xi32>
      %and3A = arith.andi %eq3A_33, %lt3A : vector<16xi1>
      %or3A = arith.ori %gt3A, %and3A : vector<16xi1>
      %select_n3A = arith.select %or3A, %parallel_loop3A_32#1, %parallel_loop3A_32#0 : vector<16xi1>, vector<16xf32>
      %select_n3A_34 = arith.select %or3A, %parallel_loop3A_32#3, %parallel_loop3A_32#2 : vector<16xi1>, vector<16xi32>
      %reduce_max3A = arith.constant true
      %reduce_max3A_35 = vector.broadcast %reduce_max3A : i1 to vector<16xi1>
      %reduce_max3A_36 = tpu.scan <max>, %select_n3A masked %reduce_max3A_35 : vector<16xf32>, vector<16xi1> -> vector<16xf32>
      %reduce_max3A_37 = vector.extract %reduce_max3A_36[15] : f32 from vector<16xf32>
      %mul3A_38 = arith.constant 16 : i32
      %mul3A_39 = vector.broadcast %mul3A_38 : i32 to vector<16xi32>
      %mul3A_40 = arith.muli %select_n3A_34, %mul3A_39 : vector<16xi32>
      %add3A_41 = arith.addi %mul3A_40, %iota3A : vector<16xi32>
      %eq3A_42 = vector.broadcast %reduce_max3A_37 : f32 to vector<16xf32>
      %eq3A_43 = arith.cmpf oeq, %select_n3A, %eq3A_42 : vector<16xf32>
      %jit3A = arith.constant 16384 : i32
      %broadcast_in_dim3A_44 = vector.broadcast %jit3A : i32 to vector<16xi32>
      %select_n3A_45 = arith.select %eq3A_43, %add3A_41, %broadcast_in_dim3A_44 : vector<16xi1>, vector<16xi32>
      %reduce_min3A = arith.constant true
      %reduce_min3A_46 = vector.broadcast %reduce_min3A : i1 to vector<16xi1>
      %reduce_min3A_47 = arith.constant -2147483648 : i32
      %reduce_min3A_48 = vector.broadcast %reduce_min3A_47 : i32 to vector<16xi32>
      %reduce_min3A_49 = arith.xori %select_n3A_45, %reduce_min3A_48 : vector<16xi32>
      %reduce_min3A_50 = tpu.scan <min>, %reduce_min3A_49 masked %reduce_min3A_46 : vector<16xi32>, vector<16xi1> -> vector<16xi32>
      %reduce_min3A_51 = arith.xori %reduce_min3A_50, %reduce_min3A_48 : vector<16xi32>
      %reduce_min3A_52 = vector.extract %reduce_min3A_51[15] : i32 from vector<16xi32>
      %broadcast_in_dim3A_53 = vector.broadcast %reduce_min3A_52 : i32 to vector<16xi32>
      scf.yield %broadcast_in_dim3A_53 : vector<16xi32>
    }
    %scan3A_14 = arith.constant 128 : i32
    "tpu.region"() ({
      %run_scoped3A = tpu.sem_alloc : memref<!tpu.dma_semaphore, #tpu.memory_space<semaphore_mem>>
      %dma_start3A = arith.constant 0 : i32
      %dma_start3A_15 = tpu.memref_slice %arg6[%add3A, %dma_start3A] : memref<32x128xf32, #tpu.memory_space<hbm>> -> memref<1x128xf32, #tpu.memory_space<hbm>>
      %dma_start3A_16 = tpu.memref_squeeze %dma_start3A_15 : memref<1x128xf32, #tpu.memory_space<hbm>> -> memref<128xf32, #tpu.memory_space<hbm>>
      %dma_start3A_17 = arith.constant 0 : i32
      %dma_start3A_18 = tpu.memref_slice %arg6[%add3A, %dma_start3A_17] : memref<32x128xf32, #tpu.memory_space<hbm>> -> memref<1x128xf32, #tpu.memory_space<hbm>>
      %dma_start3A_19 = tpu.memref_squeeze %dma_start3A_18 : memref<1x128xf32, #tpu.memory_space<hbm>> -> memref<128xf32, #tpu.memory_space<hbm>>
      tpu.enqueue_dma source(%arg14 : memref<128xf32, #tpu.memory_space<vmem>>) target(%dma_start3A_19 : memref<128xf32, #tpu.memory_space<hbm>>) target_semaphore(%run_scoped3A : memref<!tpu.dma_semaphore, #tpu.memory_space<semaphore_mem>>)
      %dma_wait3A = arith.constant 0 : i32
      %dma_wait3A_20 = tpu.memref_slice %arg6[%add3A, %dma_wait3A] : memref<32x128xf32, #tpu.memory_space<hbm>> -> memref<1x128xf32, #tpu.memory_space<hbm>>
      %dma_wait3A_21 = tpu.memref_squeeze %dma_wait3A_20 : memref<1x128xf32, #tpu.memory_space<hbm>> -> memref<128xf32, #tpu.memory_space<hbm>>
      %dma_wait3A_22 = arith.constant 0 : i32
      %dma_wait3A_23 = tpu.memref_slice %arg6[%add3A, %dma_wait3A_22] : memref<32x128xf32, #tpu.memory_space<hbm>> -> memref<1x128xf32, #tpu.memory_space<hbm>>
      %dma_wait3A_24 = tpu.memref_squeeze %dma_wait3A_23 : memref<1x128xf32, #tpu.memory_space<hbm>> -> memref<128xf32, #tpu.memory_space<hbm>>
      tpu.wait_dma2 semaphore(%run_scoped3A : memref<!tpu.dma_semaphore, #tpu.memory_space<semaphore_mem>>) src(%arg14 : memref<128xf32, #tpu.memory_space<vmem>>) dst(%dma_wait3A_24 : memref<128xf32, #tpu.memory_space<hbm>>)
      tpu.yield
    }) : () -> ()
    "tpu.region"() ({
      %run_scoped3A = tpu.sem_alloc : memref<!tpu.dma_semaphore, #tpu.memory_space<semaphore_mem>>
      %dma_start3A = arith.constant 0 : i32
      %dma_start3A_15 = tpu.memref_slice %arg7[%add3A, %dma_start3A] : memref<32x128xf32, #tpu.memory_space<hbm>> -> memref<1x128xf32, #tpu.memory_space<hbm>>
      %dma_start3A_16 = tpu.memref_squeeze %dma_start3A_15 : memref<1x128xf32, #tpu.memory_space<hbm>> -> memref<128xf32, #tpu.memory_space<hbm>>
      %dma_start3A_17 = arith.constant 0 : i32
      %dma_start3A_18 = tpu.memref_slice %arg7[%add3A, %dma_start3A_17] : memref<32x128xf32, #tpu.memory_space<hbm>> -> memref<1x128xf32, #tpu.memory_space<hbm>>
      %dma_start3A_19 = tpu.memref_squeeze %dma_start3A_18 : memref<1x128xf32, #tpu.memory_space<hbm>> -> memref<128xf32, #tpu.memory_space<hbm>>
      tpu.enqueue_dma source(%arg15 : memref<128xf32, #tpu.memory_space<vmem>>) target(%dma_start3A_19 : memref<128xf32, #tpu.memory_space<hbm>>) target_semaphore(%run_scoped3A : memref<!tpu.dma_semaphore, #tpu.memory_space<semaphore_mem>>)
      %dma_wait3A = arith.constant 0 : i32
      %dma_wait3A_20 = tpu.memref_slice %arg7[%add3A, %dma_wait3A] : memref<32x128xf32, #tpu.memory_space<hbm>> -> memref<1x128xf32, #tpu.memory_space<hbm>>
      %dma_wait3A_21 = tpu.memref_squeeze %dma_wait3A_20 : memref<1x128xf32, #tpu.memory_space<hbm>> -> memref<128xf32, #tpu.memory_space<hbm>>
      %dma_wait3A_22 = arith.constant 0 : i32
      %dma_wait3A_23 = tpu.memref_slice %arg7[%add3A, %dma_wait3A_22] : memref<32x128xf32, #tpu.memory_space<hbm>> -> memref<1x128xf32, #tpu.memory_space<hbm>>
      %dma_wait3A_24 = tpu.memref_squeeze %dma_wait3A_23 : memref<1x128xf32, #tpu.memory_space<hbm>> -> memref<128xf32, #tpu.memory_space<hbm>>
      tpu.wait_dma2 semaphore(%run_scoped3A : memref<!tpu.dma_semaphore, #tpu.memory_space<semaphore_mem>>) src(%arg15 : memref<128xf32, #tpu.memory_space<vmem>>) dst(%dma_wait3A_24 : memref<128xf32, #tpu.memory_space<hbm>>)
      tpu.yield
    }) : () -> ()
    "tpu.region"() ({
      %run_scoped3A = tpu.sem_alloc : memref<!tpu.dma_semaphore, #tpu.memory_space<semaphore_mem>>
      %dma_start3A = arith.constant 0 : i32
      %dma_start3A_15 = tpu.memref_slice %arg8[%add3A, %dma_start3A] : memref<32x128xf32, #tpu.memory_space<hbm>> -> memref<1x128xf32, #tpu.memory_space<hbm>>
      %dma_start3A_16 = tpu.memref_squeeze %dma_start3A_15 : memref<1x128xf32, #tpu.memory_space<hbm>> -> memref<128xf32, #tpu.memory_space<hbm>>
      %dma_start3A_17 = arith.constant 0 : i32
      %dma_start3A_18 = tpu.memref_slice %arg8[%add3A, %dma_start3A_17] : memref<32x128xf32, #tpu.memory_space<hbm>> -> memref<1x128xf32, #tpu.memory_space<hbm>>
      %dma_start3A_19 = tpu.memref_squeeze %dma_start3A_18 : memref<1x128xf32, #tpu.memory_space<hbm>> -> memref<128xf32, #tpu.memory_space<hbm>>
      tpu.enqueue_dma source(%arg16 : memref<128xf32, #tpu.memory_space<vmem>>) target(%dma_start3A_19 : memref<128xf32, #tpu.memory_space<hbm>>) target_semaphore(%run_scoped3A : memref<!tpu.dma_semaphore, #tpu.memory_space<semaphore_mem>>)
      %dma_wait3A = arith.constant 0 : i32
      %dma_wait3A_20 = tpu.memref_slice %arg8[%add3A, %dma_wait3A] : memref<32x128xf32, #tpu.memory_space<hbm>> -> memref<1x128xf32, #tpu.memory_space<hbm>>
      %dma_wait3A_21 = tpu.memref_squeeze %dma_wait3A_20 : memref<1x128xf32, #tpu.memory_space<hbm>> -> memref<128xf32, #tpu.memory_space<hbm>>
      %dma_wait3A_22 = arith.constant 0 : i32
      %dma_wait3A_23 = tpu.memref_slice %arg8[%add3A, %dma_wait3A_22] : memref<32x128xf32, #tpu.memory_space<hbm>> -> memref<1x128xf32, #tpu.memory_space<hbm>>
      %dma_wait3A_24 = tpu.memref_squeeze %dma_wait3A_23 : memref<1x128xf32, #tpu.memory_space<hbm>> -> memref<128xf32, #tpu.memory_space<hbm>>
      tpu.wait_dma2 semaphore(%run_scoped3A : memref<!tpu.dma_semaphore, #tpu.memory_space<semaphore_mem>>) src(%arg16 : memref<128xf32, #tpu.memory_space<vmem>>) dst(%dma_wait3A_24 : memref<128xf32, #tpu.memory_space<hbm>>)
      tpu.yield
    }) : () -> ()
    return
  }
}

module attributes {stable_mosaic.version = 14 : i64} {
  func.func @body(%arg0: i32, %arg1: memref<1x1x16384xf32, #tpu.memory_space<vmem>>, %arg2: memref<1x1x16384xf32, #tpu.memory_space<vmem>>, %arg3: memref<1x1x16384xf32, #tpu.memory_space<vmem>>, %arg4: memref<1x128x1xf32, #tpu.memory_space<vmem>>, %arg5: memref<1x128x1xf32, #tpu.memory_space<vmem>>, %arg6: memref<1x128x1xf32, #tpu.memory_space<vmem>>, %arg7: memref<1x1xf32, #tpu.memory_space<vmem>>) attributes {dimension_semantics = [#tpu.dimension_semantics<arbitrary>], iteration_bounds = array<i64: 32>, scalar_prefetch = 0 : i64, scratch_operands = 0 : i64, tpu.core_type = #tpu.core_type<tc>, window_params = [{transform_indices = @transform_0, window_bounds = array<i64: 1, 1, 16384>}, {transform_indices = @transform_1, window_bounds = array<i64: 1, 1, 16384>}, {transform_indices = @transform_2, window_bounds = array<i64: 1, 1, 16384>}, {transform_indices = @transform_3, window_bounds = array<i64: 1, 128, 1>}, {transform_indices = @transform_4, window_bounds = array<i64: 1, 128, 1>}, {transform_indices = @transform_5, window_bounds = array<i64: 1, 128, 1>}, {pipeline_mode = #tpu.pipeline_mode<synchronous>, transform_indices = @transform_6, window_bounds = array<i64: 1, 1>}]} {
    %get3A = arith.constant 0 : index
    %get3A_0 = arith.constant 0 : index
    %get3A_1 = arith.constant 0 : index
    %get3A_2 = vector.load %arg1[%get3A, %get3A_0, %get3A_1] : memref<1x1x16384xf32, #tpu.memory_space<vmem>>, vector<1x1x16384xf32>
    %get3A_3 = vector.shape_cast %get3A_2 : vector<1x1x16384xf32> to vector<1x16384xf32>
    %get3A_4 = arith.constant 0 : index
    %get3A_5 = arith.constant 0 : index
    %get3A_6 = arith.constant 0 : index
    %get3A_7 = vector.load %arg2[%get3A_4, %get3A_5, %get3A_6] : memref<1x1x16384xf32, #tpu.memory_space<vmem>>, vector<1x1x16384xf32>
    %get3A_8 = vector.shape_cast %get3A_7 : vector<1x1x16384xf32> to vector<1x16384xf32>
    %get3A_9 = arith.constant 0 : index
    %get3A_10 = arith.constant 0 : index
    %get3A_11 = arith.constant 0 : index
    %get3A_12 = vector.load %arg3[%get3A_9, %get3A_10, %get3A_11] : memref<1x1x16384xf32, #tpu.memory_space<vmem>>, vector<1x1x16384xf32>
    %get3A_13 = vector.shape_cast %get3A_12 : vector<1x1x16384xf32> to vector<1x16384xf32>
    %mul3A = arith.mulf %get3A_3, %get3A_3 : vector<1x16384xf32>
    %mul3A_14 = arith.mulf %get3A_8, %get3A_8 : vector<1x16384xf32>
    %add3A = arith.addf %mul3A, %mul3A_14 : vector<1x16384xf32>
    %mul3A_15 = arith.mulf %get3A_13, %get3A_13 : vector<1x16384xf32>
    %add3A_16 = arith.addf %add3A, %mul3A_15 : vector<1x16384xf32>
    %broadcast_in_dim3A = arith.constant 0.000000e+00 : f32
    %broadcast_in_dim3A_17 = vector.broadcast %broadcast_in_dim3A : f32 to vector<5x16384xf32>
    %concatenate3A = tpu.concatenate %get3A_3, %get3A_8, %get3A_13, %broadcast_in_dim3A_17 in 0 : vector<1x16384xf32>, vector<1x16384xf32>, vector<1x16384xf32>, vector<5x16384xf32> -> vector<8x16384xf32>
    %get3A_18 = arith.constant 0 : index
    %get3A_19 = arith.constant 0 : index
    %get3A_20 = arith.constant 0 : index
    %get3A_21 = vector.load %arg4[%get3A_18, %get3A_19, %get3A_20] : memref<1x128x1xf32, #tpu.memory_space<vmem>>, vector<1x128x1xf32>
    %get3A_22 = vector.shape_cast %get3A_21 : vector<1x128x1xf32> to vector<128x1xf32>
    %get3A_23 = arith.constant 0 : index
    %get3A_24 = arith.constant 0 : index
    %get3A_25 = arith.constant 0 : index
    %get3A_26 = vector.load %arg5[%get3A_23, %get3A_24, %get3A_25] : memref<1x128x1xf32, #tpu.memory_space<vmem>>, vector<1x128x1xf32>
    %get3A_27 = vector.shape_cast %get3A_26 : vector<1x128x1xf32> to vector<128x1xf32>
    %get3A_28 = arith.constant 0 : index
    %get3A_29 = arith.constant 0 : index
    %get3A_30 = arith.constant 0 : index
    %get3A_31 = vector.load %arg6[%get3A_28, %get3A_29, %get3A_30] : memref<1x128x1xf32, #tpu.memory_space<vmem>>, vector<1x128x1xf32>
    %get3A_32 = vector.shape_cast %get3A_31 : vector<1x128x1xf32> to vector<128x1xf32>
    %mul3A_33 = arith.mulf %get3A_22, %get3A_22 : vector<128x1xf32>
    %mul3A_34 = arith.mulf %get3A_27, %get3A_27 : vector<128x1xf32>
    %add3A_35 = arith.addf %mul3A_33, %mul3A_34 : vector<128x1xf32>
    %mul3A_36 = arith.mulf %get3A_32, %get3A_32 : vector<128x1xf32>
    %add3A_37 = arith.addf %add3A_35, %mul3A_36 : vector<128x1xf32>
    %mul3A_38 = arith.constant 2.000000e+00 : f32
    %mul3A_39 = vector.broadcast %mul3A_38 : f32 to vector<128x1xf32>
    %mul3A_40 = arith.mulf %mul3A_39, %get3A_22 : vector<128x1xf32>
    %mul3A_41 = arith.constant 2.000000e+00 : f32
    %mul3A_42 = vector.broadcast %mul3A_41 : f32 to vector<128x1xf32>
    %mul3A_43 = arith.mulf %mul3A_42, %get3A_27 : vector<128x1xf32>
    %mul3A_44 = arith.constant 2.000000e+00 : f32
    %mul3A_45 = vector.broadcast %mul3A_44 : f32 to vector<128x1xf32>
    %mul3A_46 = arith.mulf %mul3A_45, %get3A_32 : vector<128x1xf32>
    %broadcast_in_dim3A_47 = arith.constant 0.000000e+00 : f32
    %broadcast_in_dim3A_48 = vector.broadcast %broadcast_in_dim3A_47 : f32 to vector<128x5xf32>
    %concatenate3A_49 = tpu.concatenate %mul3A_40, %mul3A_43, %mul3A_46, %broadcast_in_dim3A_48 in 1 : vector<128x1xf32>, vector<128x1xf32>, vector<128x1xf32>, vector<128x5xf32> -> vector<128x8xf32>
    %sub3A = arith.constant 2.500000e-03 : f32
    %sub3A_50 = vector.broadcast %sub3A : f32 to vector<1x16384xf32>
    %sub3A_51 = arith.subf %sub3A_50, %add3A_16 : vector<1x16384xf32>
    %dot_general3A = arith.constant dense<0.000000e+00> : vector<128x16384xf32>
    %dot_general3A_52 = tpu.matmul %concatenate3A_49, %concatenate3A, %dot_general3A {dimension_numbers = #tpu.dot_dimension_numbers<[1], [0], [0], [1], [0, 0, 1, 1], [], []>, transpose_lhs_hint = false} : vector<128x8xf32>, vector<8x16384xf32>, vector<128x16384xf32> -> vector<128x16384xf32>
    %add3A_53 = vector.broadcast %sub3A_51 : vector<1x16384xf32> to vector<128x16384xf32>
    %add3A_54 = arith.addf %dot_general3A_52, %add3A_53 : vector<128x16384xf32>
    %sub3A_55 = vector.broadcast %add3A_37 : vector<128x1xf32> to vector<128x16384xf32>
    %sub3A_56 = arith.subf %add3A_54, %sub3A_55 : vector<128x16384xf32>
    %max3A = arith.constant 0.000000e+00 : f32
    %max3A_57 = vector.broadcast %max3A : f32 to vector<128x16384xf32>
    %max3A_58 = arith.maximumf %sub3A_56, %max3A_57 : vector<128x16384xf32>
    %reduce_sum3A = arith.constant dense<0.000000e+00> : vector<128xf32>
    %reduce_sum3A_59 = vector.multi_reduction <add>, %max3A_58, %reduce_sum3A [1] : vector<128x16384xf32> to vector<128xf32>
    %broadcast_in_dim3A_60 = vector.shape_cast %reduce_sum3A_59 : vector<128xf32> to vector<128x1xf32>
    %reduce_sum3A_61 = vector.shape_cast %broadcast_in_dim3A_60 : vector<128x1xf32> to vector<1x128x1xf32>
    %reduce_sum3A_62 = arith.constant dense<0.000000e+00> : vector<1xf32>
    %reduce_sum3A_63 = vector.multi_reduction <add>, %reduce_sum3A_61, %reduce_sum3A_62 [1, 2] : vector<1x128x1xf32> to vector<1xf32>
    %reduce_sum3A_64 = vector.shape_cast %reduce_sum3A_63 : vector<1xf32> to vector<1x1x1xf32>
    %reduce_sum3A_65 = vector.extract %reduce_sum3A_64[0, 0, 0] : f32 from vector<1x1x1xf32>
    %div3A = arith.constant 1.280000e+02 : f32
    %div3A_66 = arith.divf %reduce_sum3A_65, %div3A : f32
    %sub3A_67 = vector.broadcast %div3A_66 : f32 to vector<128x1xf32>
    %sub3A_68 = arith.subf %broadcast_in_dim3A_60, %sub3A_67 : vector<128x1xf32>
    %integer_pow3A = arith.mulf %sub3A_68, %sub3A_68 : vector<128x1xf32>
    %reduce_sum3A_69 = vector.shape_cast %integer_pow3A : vector<128x1xf32> to vector<1x128x1xf32>
    %reduce_sum3A_70 = arith.constant dense<0.000000e+00> : vector<1xf32>
    %reduce_sum3A_71 = vector.multi_reduction <add>, %reduce_sum3A_69, %reduce_sum3A_70 [1, 2] : vector<1x128x1xf32> to vector<1xf32>
    %reduce_sum3A_72 = vector.shape_cast %reduce_sum3A_71 : vector<1xf32> to vector<1x1x1xf32>
    %reduce_sum3A_73 = vector.extract %reduce_sum3A_72[0, 0, 0] : f32 from vector<1x1x1xf32>
    %div3A_74 = arith.constant 1.270000e+02 : f32
    %div3A_75 = arith.divf %reduce_sum3A_73, %div3A_74 : f32
    %eq3A = arith.constant 0 : i32
    %eq3A_76 = arith.cmpi eq, %arg0, %eq3A : i32
    %convert_element_type3A = arith.extui %eq3A_76 : i1 to i32
    %cond3A = arith.constant 0 : i32
    %cond3A_77 = arith.cmpi ne, %convert_element_type3A, %cond3A : i32
    scf.if %cond3A_77 {
      %broadcast_in_dim3A_87 = arith.constant 0.000000e+00 : f32
      %broadcast_in_dim3A_88 = vector.broadcast %broadcast_in_dim3A_87 : f32 to vector<1x1xf32>
      %swap3A_89 = arith.constant 0 : index
      %swap3A_90 = arith.constant 0 : index
      %swap3A_91 = vector.load %arg7[%swap3A_89, %swap3A_90] : memref<1x1xf32, #tpu.memory_space<vmem>>, vector<1x1xf32>
      tpu.vector_store %arg7[%swap3A_89, %swap3A_90], %broadcast_in_dim3A_88 {strides = array<i32>} : memref<1x1xf32, #tpu.memory_space<vmem>>, vector<1x1xf32>,
    } else {
    }
    %get3A_78 = arith.constant 0 : index
    %get3A_79 = arith.constant 0 : index
    %get3A_80 = vector.load %arg7[%get3A_78, %get3A_79] : memref<1x1xf32, #tpu.memory_space<vmem>>, vector<1x1xf32>
    %div3A_81 = arith.constant 3.200000e+01 : f32
    %div3A_82 = arith.divf %div3A_75, %div3A_81 : f32
    %broadcast_in_dim3A_83 = vector.broadcast %div3A_82 : f32 to vector<1x1xf32>
    %add3A_84 = arith.addf %get3A_80, %broadcast_in_dim3A_83 : vector<1x1xf32>
    %swap3A = arith.constant 0 : index
    %swap3A_85 = arith.constant 0 : index
    %swap3A_86 = vector.load %arg7[%swap3A, %swap3A_85] : memref<1x1xf32, #tpu.memory_space<vmem>>, vector<1x1xf32>
    tpu.vector_store %arg7[%swap3A, %swap3A_85], %add3A_84 {strides = array<i32>} : memref<1x1xf32, #tpu.memory_space<vmem>>, vector<1x1xf32>,
    return
  }
  func.func @transform_0(%arg0: i32) -> (i32, i32, i32) {
    %c0_i32 = arith.constant 0 : i32
    %c0_i32_0 = arith.constant 0 : i32
    %c0_i32_1 = arith.constant 0 : i32
    return %arg0, %c0_i32, %c0_i32_0 : i32, i32, i32
  }
  func.func @transform_1(%arg0: i32) -> (i32, i32, i32) {
    %c0_i32 = arith.constant 0 : i32
    %c0_i32_0 = arith.constant 0 : i32
    %c0_i32_1 = arith.constant 0 : i32
    return %arg0, %c0_i32, %c0_i32_0 : i32, i32, i32
  }
  func.func @transform_2(%arg0: i32) -> (i32, i32, i32) {
    %c0_i32 = arith.constant 0 : i32
    %c0_i32_0 = arith.constant 0 : i32
    %c0_i32_1 = arith.constant 0 : i32
    return %arg0, %c0_i32, %c0_i32_0 : i32, i32, i32
  }
  func.func @transform_3(%arg0: i32) -> (i32, i32, i32) {
    %c0_i32 = arith.constant 0 : i32
    %c0_i32_0 = arith.constant 0 : i32
    %c0_i32_1 = arith.constant 0 : i32
    return %arg0, %c0_i32, %c0_i32_0 : i32, i32, i32
  }
  func.func @transform_4(%arg0: i32) -> (i32, i32, i32) {
    %c0_i32 = arith.constant 0 : i32
    %c0_i32_0 = arith.constant 0 : i32
    %c0_i32_1 = arith.constant 0 : i32
    return %arg0, %c0_i32, %c0_i32_0 : i32, i32, i32
  }
  func.func @transform_5(%arg0: i32) -> (i32, i32, i32) {
    %c0_i32 = arith.constant 0 : i32
    %c0_i32_0 = arith.constant 0 : i32
    %c0_i32_1 = arith.constant 0 : i32
    return %arg0, %c0_i32, %c0_i32_0 : i32, i32, i32
  }
  func.func @transform_6(%arg0: i32) -> (i32, i32) {
    %c0_i32 = arith.constant 0 : i32
    %c0_i32_0 = arith.constant 0 : i32
    %c0_i32_1 = arith.constant 0 : i32
    return %c0_i32, %c0_i32_0 : i32, i32
  }
}

</mosaic_0001>

<sc_bundles>
// kernel: kernel.4.cloned.1.call-start
scs
__scs_entry_jumppad:
0x0: {  	(pc) =	sbr.rel $0x88, $3  }
0x1: {  	(tag) =	ssettag $0x0;
	lr =	simm.s32 $0x1  }
0x2: {  	[smem:$0x3FA0] =	sst lr;
	_ =	strace $0xD0000000  }
0x3: {  	_ = 	snop  }
0x4: {  	_ = 	snop  }
0x5: {  	_ = 	snop  }
0x6: {  	_ = 	snop  }
0x7: {  	_ = 	snop  }
__scs_overlays_trampoline_lowered:
0x8: {  	[smem:$0x3FAF] =	sst s0  }
0x9: {  	[smem:$0x3FB0] =	sst s1  }
0xa: {  	[smem:$0x3FB1] =	sst s2  }
0xb: {  	[smem:$0x3FB2] =	sst s3  }
0xc: {  	[smem:$0x3FB3] =	sst s4  }
0xd: {  	[smem:$0x3FB4] =	sst s5  }
0xe: {  	[smem:$0x3FB5] =	sst s6  }
0xf: {  	[smem:$0x3FB6] =	sst s7  }
0x10: {  	[smem:$0x3FB7] =	sst s8  }
0x11: {  	[smem:$0x3FB8] =	sst s9;
	s0 =	simm.s32 @!p0 $0x0  }
0x12: {  	s1 =	sld [smem:$0x3F9E];
	s0 =	simm.s32 @p0 $0x1  }
0x13: {  	[smem:$0x3FB9] =	sst s0;
	s0 =	simm.s32 @!p1 $0x0  }
0x14: {  	s2 =	sld [smem:$0x3F9D];
	s0 =	simm.s32 @p1 $0x1  }
0x15: {  	[smem:$0x3FBA] =	sst s0;
	s0 =	simm.s32 @!p2 $0x0  }
0x16: {  	s3 =	sld [smem:$0x3FDB];
	s0 =	simm.s32 @p2 $0x1  }
0x17: {  	s4 =	simm.s32 $0x1BF5;
	[smem:$0x3FBC] =	sst s0  }
0x18: {  	s0 =	sld [smem:$0x3F9F];
	_ =	swait.ge [sflag:s4], $0x0  }
0x19: {  	s7 =	sld [smem:$0x3FA0]  }
0x1a: {  	s8 =	sadd.s32 $0xFFFFE003, lr  }
0x1b: {  	s9 =	sadd.s32 $0xFFFFFEF7, lr;
	s5 =	simm.s32 $0xFFFFFFFF;
	p2 =	slt.u32 s8, $0xFFFFF086  }
0x1c: {  	p1 =	slt.u32 s9, $0xF7A;
	s5 =	simm.s32 @!p2 $0x0  }
0x1d: {  	s5 =	simm.s32 @p1 $0x1;
	p0 =	seq.s32 s7, s2  }
0x1e: {  	s7 =	smul.u32 @!p0 $0xF7A, s2;
	p2 =	seq.s32 @!p0 s5, $0x0  }
0x1f: {  	s9 =	smul.u32 $0xF7A, s1;
	s8 =	simm.s32 @!p0 $0x1BF5;
	p2 =	por !p2, p0  }
0x20: {  	[sflag:s8] =	ssyncset.s32 @!p0 $0xFFFFF086;
	s6 =	sadd.s32 @!p0 s3, s7;
	s7 =	simm.s32 @!p0 $0x108  }
0x21: {  	s3 =	sadd.s32 s3, s9;
	s6 =	sadd.s32 @!p0 $0x88, s6;
	s7 =	simm.s32 @p2 $0x1082  }
0x22: {  	[simem:s7], [sflag:s8] =	dma.local @!p0 [hbm:s6], $0xF7A  }
0x23: {  	s9 =	sor.u32 $0xD0000000, s2;
	s6 =	simm.s32 $0x108;
	_ =	swait.ge @!p0 [sflag:s8], $0x0  }
0x24: {  	s3 =	sadd.s32 $0x88, s3;
	s6 =	simm.s32 @!p1 $0x1082;
	[sflag:s4] =	ssyncset.s32 $0xFFFFF086  }
0x25: {  	[simem:s6], [sflag:s4] =	dma.local [hbm:s3], $0xF7A  }
0x26: {  	[smem:$0x3FA0] =	sst s1;
	(tag) =	ssettag s2;
	_ =	strace s9  }
0x27: {  	s1 =	sld [smem:$0x3FB0]  }
0x28: {  	s2 =	sld [smem:$0x3FB1]  }
0x29: {  	s4 =	sld [smem:$0x3FB3]  }
0x2a: {  	p0 =	seq.s32 s5, $0x0;
	s5 =	sld [smem:$0x3FB4]  }
0x2b: {  	s6 =	sld [smem:$0x3FB5]  }
0x2c: {  	s7 =	sld [smem:$0x3FB6]  }
0x2d: {  	s3 =	simm.s32 $0x108;
	s8 =	sld [smem:$0x3FB7]  }
0x2e: {  	s3 =	simm.s32 @!p0 $0x1082;
	s9 =	sld [smem:$0x3FB8]  }
0x2f: {  	lr =	sadd.s32 s0, s3;
	s0 =	sld [smem:$0x3FAF]  }
0x30: {  	s3 =	sld [smem:$0x3FB2]  }
0x31: {  	[smem:$0x3FBB] =	sst s10  }
0x32: {  	s10 =	sld [smem:$0x3FB9];
	_ =	sdelay $0x3  }
0x33: {  	p0 =	seq.s32 s10, $0x1;
	s10 =	sld [smem:$0x3FBB];
	_ =	sdelay $0x3  }
0x34: {  	[smem:$0x3FBB] =	sst s10  }
0x35: {  	s10 =	sld [smem:$0x3FBA];
	_ =	sdelay $0x3  }
0x36: {  	p1 =	seq.s32 s10, $0x1;
	s10 =	sld [smem:$0x3FBB];
	_ =	sdelay $0x3  }
0x37: {  	[smem:$0x3FBB] =	sst s10  }
0x38: {  	s10 =	sld [smem:$0x3FBC]  }
0x39: {  	_ = 	snop;
	(pc) =	sbr.ind lr, $3  }
0x3a: {  	_ = 	snop  }
0x3b: {  	_ = 	snop  }
0x3c: {  	p2 =	seq.s32 s10, $0x1;
	s10 =	sld [smem:$0x3FBB]  }
0x3d: {  	_ =	shalt  }
0x3e: {  	_ =	shalt  }
0x3f: {  	_ =	shalt  }
0x40: {  	_ =	shalt  }
0x41: {  	_ =	shalt  }
0x42: {  	_ =	shalt  }
0x43: {  	_ =	shalt  }
0x44: {  	_ =	shalt  }
0x45: {  	_ =	shalt  }
0x46: {  	_ =	shalt  }
0x47: {  	_ =	shalt  }
0x48: {  	_ =	shalt  }
0x49: {  	_ =	shalt  }
0x4a: {  	_ =	shalt  }
0x4b: {  	_ =	shalt  }
0x4c: {  	_ =	shalt  }
0x4d: {  	_ =	shalt  }
0x4e: {  	_ =	shalt  }
0x4f: {  	_ =	shalt  }
0x50: {  	_ =	shalt  }
0x51: {  	_ =	shalt  }
0x52: {  	_ =	shalt  }
0x53: {  	_ =	shalt  }
0x54: {  	_ =	shalt  }
0x55: {  	_ =	shalt  }
0x56: {  	_ =	shalt  }
0x57: {  	_ =	shalt  }
0x58: {  	_ =	shalt  }
0x59: {  	_ =	shalt  }
0x5a: {  	_ =	shalt  }
0x5b: {  	_ =	shalt  }
0x5c: {  	_ =	shalt  }
0x5d: {  	_ =	shalt  }
0x5e: {  	_ =	shalt  }
0x5f: {  	_ =	shalt  }
0x60: {  	_ =	shalt  }
0x61: {  	_ =	shalt  }
0x62: {  	_ =	shalt  }
0x63: {  	_ =	shalt  }
0x64: {  	_ =	shalt  }
0x65: {  	_ =	shalt  }
0x66: {  	_ =	shalt  }
0x67: {  	_ =	shalt  }
0x68: {  	_ =	shalt  }
0x69: {  	_ =	shalt  }
0x6a: {  	_ =	shalt  }
0x6b: {  	_ =	shalt  }
0x6c: {  	_ =	shalt  }
0x6d: {  	_ =	shalt  }
0x6e: {  	_ =	shalt  }
0x6f: {  	_ =	shalt  }
0x70: {  	_ =	shalt  }
0x71: {  	_ =	shalt  }
0x72: {  	_ =	shalt  }
0x73: {  	_ =	shalt  }
0x74: {  	_ =	shalt  }
0x75: {  	_ =	shalt  }
0x76: {  	_ =	shalt  }
0x77: {  	_ =	shalt  }
0x78: {  	_ =	shalt  }
0x79: {  	_ =	shalt  }
0x7a: {  	_ =	shalt  }
0x7b: {  	_ =	shalt  }
0x7c: {  	_ =	shalt  }
0x7d: {  	_ =	shalt  }
0x7e: {  	_ =	shalt  }
0x7f: {  	_ =	shalt  }
0x80: {  	_ =	shalt  }
0x81: {  	_ =	shalt  }
0x82: {  	_ =	shalt  }
0x83: {  	_ =	shalt  }
0x84: {  	_ =	shalt  }
0x85: {  	_ =	shalt  }
0x86: {  	_ =	shalt  }
0x87: {  	_ =	shalt  }
.Lfunc_end0:
.L_simem_size_0:
called_computation_lowered:
.L_overlay_start_0:
0x88: {  	s2 =	sld [smem:$0x3FD9]  }
0x89: {  	s3 =	sld [smem:$0x3FFE];
	_ =	sdelay $0x1  }
0x8a: {  	s1 =	srdreg.scid  }
0x8b: {  	s0 =	sand.u32 $0x1, s1  }
0x8c: {  	s16 =	sshll.u32 s0, $0xA;
	s2 =	sadd.s32 s3, s2  }
0x8d: {  	s2 =	sadd.s32 s2, s16  }
0x8e: {  	[smem:$0x3FC7] =	sst s2  }
0x8f: {  	_ = 	snop  }
0x90: {  	(tm) =	ssettm $0x1  }
0x91: {  	s17 =	sld [smem:$0x3FFB];
	_ =	sdelay $0x3  }
0x92: {  	_ =	strace s17  }
0x93: {  	s2 =	sld [smem:$0x3FFC];
	_ =	sdelay $0x3  }
0x94: {  	_ =	strace s2  }
0x95: {  	s2 =	sld [smem:$0x3FFD];
	_ =	sdelay $0x3  }
0x96: {  	_ =	strace s2  }
0x97: {  	_ =	strace $0x8FFFFFFF  }
0x98: {  	s18 =	sld [smem:$0x3FDB];
	_ =	sdelay $0x1  }
0x99: {  	s19 =	simm.s32 $_scs_section_size  }
0x9a: {  	s4 =	simm.s32 $_size__tile_overlayer_lowered;
	s5 =	simm.s32 $_tile_overlayer_lowered  }
0x9b: {  	s22 =	simm.s32 $0x1BFF;
	s21 =	sshll.u32 s5, $0x1;
	s2 =	sadd.s32 s19, s18  }
0x9c: {  	s6 =	simm.s32 $0x0;
	s20 =	sshll.u32 s4, $0x1;
	s4 =	sadd.s32 s21, s2  }
0x9d: {  	[timem:s6], [sflag:s22] =	dma.local [hbm:s4], s20  }
0x9e: {  	_ =	swait.ge [sflag:s22], s20  }
0x9f: {  	s3 =	ssub.s32 $0x0, s20;
	[sflag:s22] =	ssyncset.done $0x0  }
0xa0: {  	[sflag:s22] =	ssyncadd.s32 s3;
	_ =	sdelay $0x1  }
0xa1: {  	s23 =	simm.s32 $0x1B8B  }
0xa2: {  	_ =	swait.ge [sflag:s23], $0x1  }
0xa3: {  	[sflag:s23] =	ssyncset.done $0x0  }
0xa4: {  	s25 =	simm.s32 $0x1B8E;
	s24 =	sld [smem:$0x3FFE];
	[sflag:s23] =	ssyncadd.s32 $0xFFFFFFFF  }
0xa5: {  	s26 =	simm.s32 $execute0_lowered;
	[smem:$0x3FD2] =	sst s25  }
0xa6: {  	s4 =	sshll.u32 s26, $0x1;
	_ =	strace $0x80000046;
	[dreg:$0x1] =	wrdreg $0xFFFFFFFF  }
0xa7: {  	s28 =	simm.s32 $_size_execute0_lowered;
	s2 =	sadd.s32 s2, s4;
	[dreg:$0x0] =	wrdreg $0x0  }
0xa8: {  	s4 =	sshll.u32 s28, $0x1;
	[dreg:$0x2] =	wrdreg s2  }
0xa9: {  	[dreg:$0x3] =	wrdreg s4  }
0xaa: {  	[dreg:$0x4] =	wrdreg $0xC0  }
0xab: {  	_ =	task [dreg:s6], $0x5FFFF  }
0xac: {  	[dreg:$0x1] =	wrdreg $0xFFFFFFFF  }
0xad: {  	[dreg:$0x0] =	wrdreg $0x60  }
0xae: {  	[dreg:$0x2] =	wrdreg s24  }
0xaf: {  	[dreg:$0x3] =	wrdreg $0x9  }
0xb0: {  	_ =	task.clear_ibuf [dreg:s6], $0x4FFFF;
	_ =	strace $0x90000046  }
0xb1: {  	s29 =	simm.s32 $0x9;
	_ =	strace $0x80000048  }
0xb2: {  	_ =	swait.ge [sflag:s29], $0x1  }
0xb3: {  	[sflag:s29] =	ssyncadd.s32 $0xFFFFFFFF  }
0xb4: {  	_ =	strace $0x90000048  }
0xb5: {  	_ =	sfence  }
0xb6: {  	s30 =	sld [smem:$0x0];
	_ =	sdelay $0x2  }
0xb7: {  	s31 =	sshll.u32 s1, $0xD;
	s1 =	sshrl.u32 s1, $0x2  }
0xb8: {  	s3 =	sand.u32 $0x4000, s31;
	s1 =	sadd.s32 s1, s30  }
0xb9: {  	s0 =	sor.u32 s3, s0;
	s1 =	sshll.u32 s1, $0x11  }
0xba: {  	s0 =	sor.u32 s1, s0  }
0xbb: {  	s0 =	sadd.s32 $0x8F2B, s0  }
0xbc: {  	[sflag:s0] =	ssyncadd.remote.s32 $0x1  }
0xbd: {  	_ =	sfence.sel $0xFFFF  }
0xbe: {  	[dreg:$0x0] =	wrdreg $0xFFFFFFFF;
	(pc) =	sbr.abs _section_cstart, $3  }
0xbf: {  	[dreg:$0x1] =	wrdreg $0xFFFFFFFF  }
0xc0: {  	_ =	task.clear_ibuf [dreg:s6], $0x2FFFF;
	_ =	strace $0x9FFFFFFF  }
0xc1: {  	(tm) =	ssettm $0x7FFFFFFF  }
tec
execute0_lowered:
.L_overlay_start_1:
0x0: {  	(tag) =	ssettag $0x1  }
0x1: {  	s0 =	rddreg [dreg:$0x0];
	s2 =	simm.s32 $0x0  }
0x2: {  	s1 =	srdreg.scid;
	s4 =	stileid.u32;
	s11 =	simm.s32 $0x80  }
0x3: {  	s12 =	simm.s32 $0x400;
	s13 =	simm.s32 $0x1;
	s14 =	simm.s32 $0x4000  }
0x4: {  	s15 =	simm.s32 $0x8000;
	s17 =	simm.s32 $0x10080;
	s18 =	simm.s32 $0x10100  }
0x5: {  	s19 =	simm.s32 $0x10180;
	s1 =	sand.u32 $0x1, s1;
	s3 =	sshll.u32 s4, $0x8  }
0x6: {  	s4 =	sshrl.u32 s4, $0x2;
	s5 =	sshll.u32 s1, $0x7;
	s3 =	sand.u32 $0x300, s3  }
0x7: {  	[smem:$0x7FF] =	sst s2;
	s24 =	sshll.u32 s4, $0x11;
	s3 =	sor.u32 s5, s3  }
0x8: {  	s20 =	simm.s32 $0x0;
	_ =	strace $0x80000047;
	s5 =	sor.u32 s24, s3  }
0x9: {  	s4 =	sshll.u32 s4, $0xA;
	s1 =	ssub.s32 $0x2, s1;
	s25 =	sshrl.u32 s5, $0x3  }
0xa: {  	s26 =	sshrl.u32 s1, $0x1;
	s3 =	sor.u32 s4, s3;
	s4 =	sadd.s32 s25, s0  }
0xb: {  	s1 =	ssub.s32 s1, s26;
	s3 =	sshrl.u32 s3, $0x3;
	s28 =	sadd.s32 $0x11200, s4  }
0xc: {  	s10 =	smax.u32 s1, $0x1;
	s29 =	sadd.s32 $0x21200, s4;
	[dreg:$0x2] =	wrdreg s28  }
0xd: {  	s0 =	sadd.s32 s3, s0;
	s30 =	sadd.s32 $0x1200, s4;
	[dreg:$0x3] =	wrdreg s29  }
0xe: {  	v1 =	vlaneseq.u32;
	s31 =	sadd.s32 $0x31200, s0;
	s7 =	sadd.s32 $0x31600, s0;
	[dreg:$0x4] =	wrdreg s30  }
0xf: {  	v0 =	vimm.f32 $1.000000000e+10;
	v1 =	vor.u32 $0x80000000, v1;
	s8 =	sadd.s32 $0x31400, s0;
	s9 =	sadd.s32 $0x31800, s0;
	[dreg:$0x5] =	wrdreg s31  }
.LBB2_1:
0x10: {  	s0 =	rddreg [dreg:$0x2]  }
0x11: {  	[tilespmem:s2], [sflag:$0x1] =	stream.strided.gather [hbm4b:s0+s11], $0x4000, s12, s11, $0x38;
	[tilespmem:$0x10200] =	vst v63  }
0x12: {  	_ =	swait.ge [sflag:s13], $0x4000  }
0x13: {  	[sflag:s13] =	ssyncset.done $0x0  }
0x14: {  	s29 =	rddreg [dreg:$0x3];
	[sflag:s13] =	ssyncadd.s32 $0xFFFFC000  }
0x15: {  	[tilespmem:s14], [sflag:$0x1] =	stream.strided.gather [hbm4b:s29+s11], $0x4000, s12, s11, $0x38;
	[tilespmem:$0x10200] =	vst v63  }
0x16: {  	_ =	swait.ge [sflag:s13], $0x4000  }
0x17: {  	[sflag:s13] =	ssyncset.done $0x0  }
0x18: {  	s30 =	rddreg [dreg:$0x4];
	[sflag:s13] =	ssyncadd.s32 $0xFFFFC000  }
0x19: {  	[tilespmem:s15], [sflag:$0x1] =	stream.strided.gather [hbm4b:s30+s11], $0x4000, s12, s11, $0x38;
	[tilespmem:$0x10200] =	vst v63  }
0x1a: {  	_ =	swait.ge [sflag:s13], $0x4000  }
0x1b: {  	[sflag:s13] =	ssyncset.done $0x0  }
0x1c: {  	s1 =	simm.s32 $0x10000;
	s31 =	rddreg [dreg:$0x5];
	[sflag:s13] =	ssyncadd.s32 $0xFFFFC000  }
0x1d: {  	[tilespmem:s1], [sflag:$0x1] =	stream.linear.gather [hbm4b:s31+s2], $0x80, $0x38;
	[tilespmem:$0x10200] =	vst v63  }
0x1e: {  	_ =	swait.ge [sflag:s13], $0x80  }
0x1f: {  	[sflag:s13] =	ssyncset.done $0x0  }
0x20: {  	s0 =	simm.s32 $0x80;
	s1 =	simm.s32 $0x0;
	[sflag:s13] =	ssyncadd.s32 $0xFFFFFF80  }
.LBB2_2:
0x21: {  	p0 =	sne.s32 s0, $0xFF80;
	[tilespmem:s1+$0xC000] =	vst v0;
	s3 =	smov.u32 s0;
	s0 =	sadd.s32 $0x80, s0  }
.Ltmp0:
0x22: {  	[tilespmem:s1+$0xC010] =	vst v0;
	(pc) =	sbr.rel @p0 .LBB2_2-.Ltmp0, $2  }
0x23: {  	_ =	sdelay $0x2  }
0x24: {  	s1 =	sshra.s32 s3, $0x2  }
0x25: {  	[tilespmem:s1+$0xC000] =	vst v0  }
0x26: {  	[tilespmem:s1+$0xC010] =	vst v0  }
0x27: {  	s21 =	simm.s32 $0x0;
	v2 =	vld [tilespmem:$0x10000]  }
.LBB2_4:
0x28: {  	_ =	sdelay $0x7  }
0x29: {  	v5 =	vmov s21;
	v4 =	vld.idx.msk [tilespmem:v2+s2+$0x0], $0xffff  }
0x2a: {  	v3 =	vld.idx.msk [tilespmem:v2+s14+$0x0], $0xffff  }
0x2b: {  	v2 =	vld.idx.msk [tilespmem:v2+s15+$0x0], $0xffff;
	_ =	sdelay $0x2  }
0x2c: {  	[tilespmem:v5+s17+$0x0] =	vst.idx.msk $0x1, v4  }
0x2d: {  	[tilespmem:v5+s18+$0x0] =	vst.idx.msk $0x1, v3  }
0x2e: {  	s0 =	simm.s32 $0x8080;
	[tilespmem:v5+s19+$0x0] =	vst.idx.msk $0x1, v2  }
0x2f: {  	v5 =	vld [tilespmem:s0+$0xFFFFFFE0]  }
0x30: {  	s22 =	simm.s32 $0xC080;
	v6 =	vld [tilespmem:s0+$0xFFFFFFA0]  }
0x31: {  	v7 =	vld [tilespmem:s22+$0x60]  }
0x32: {  	s1 =	simm.s32 $0x4080;
	v8 =	vld [tilespmem:s0+$0x60]  }
0x33: {  	v9 =	vld [tilespmem:s1+$0x60]  }
0x34: {  	s3 =	simm.s32 $0x80;
	v10 =	vld [tilespmem:s22+$0x40]  }
0x35: {  	v11 =	vld [tilespmem:s3+$0x60]  }
0x36: {  	v12 =	vld [tilespmem:s0+$0x40]  }
0x37: {  	v13 =	vld [tilespmem:s1+$0x40]  }
0x38: {  	v14 =	vld [tilespmem:s3+$0x40]  }
0x39: {  	v16 =	vld [tilespmem:s0+$0x20]  }
0x3a: {  	v19 =	vld [tilespmem:s1+$0x20]  }
0x3b: {  	v20 =	vld [tilespmem:s3+$0x20];
	v17 =	vsub.f32 v5, v2  }
0x3c: {  	v21 =	vld [tilespmem:s1+$0x0];
	v18 =	vsub.f32 v6, v2;
	v13 =	vsub.f32 v13, v3  }
0x3d: {  	v22 =	vld [tilespmem:s1+$0xFFFFFFE0];
	v12 =	vsub.f32 v12, v2;
	v14 =	vsub.f32 v14, v4  }
0x3e: {  	v15 =	vld [tilespmem:s22+$0x20];
	v11 =	vsub.f32 v11, v4;
	v9 =	vsub.f32 v9, v3  }
0x3f: {  	v23 =	vld [tilespmem:s3+$0xFFFFFFE0];
	v8 =	vsub.f32 v8, v2;
	v16 =	vsub.f32 v16, v2  }
0x40: {  	v24 =	vld [tilespmem:s0+$0xFFFFFFC0];
	v5 =	vimm.f32 $-1.000000000e+00;
	v19 =	vsub.f32 v19, v3;
	v20 =	vsub.f32 v20, v4  }
0x41: {  	v25 =	vld [tilespmem:s1+$0xFFFFFFC0];
	v21 =	vsub.f32 v21, v3;
	v13 =	vmul.f32 v13, v13;
	v14 =	vmul.f32 v14, v14  }
0x42: {  	v26 =	vld [tilespmem:s0+$0xFFFFFF80];
	v22 =	vsub.f32 v22, v3;
	v11 =	vmul.f32 v11, v11;
	v9 =	vmul.f32 v9, v9  }
0x43: {  	v19 =	vmul.f32 v19, v19;
	v20 =	vmul.f32 v20, v20;
	v13 =	vadd.f32 v13, v14;
	v14 =	vld [tilespmem:s3+$0xFFFFFFC0]  }
0x44: {  	v23 =	vsub.f32 v23, v4;
	v12 =	vmul.f32 v12, v12;
	v9 =	vadd.f32 v9, v11;
	v11 =	vld [tilespmem:s1+$0xFFFFFFA0]  }
0x45: {  	v24 =	vsub.f32 v24, v2;
	v8 =	vmul.f32 v8, v8;
	v19 =	vadd.f32 v19, v20;
	v20 =	vld [tilespmem:s3+$0xFFFFFFA0]  }
0x46: {  	v25 =	vsub.f32 v25, v3;
	v16 =	vmul.f32 v16, v16;
	v12 =	vadd.f32 v12, v13;
	v13 =	vld [tilespmem:s3+$0xFFFFFF80]  }
0x47: {  	v22 =	vmul.f32 v22, v22;
	v23 =	vmul.f32 v23, v23;
	v8 =	vadd.f32 v8, v9;
	v9 =	vld [tilespmem:s1+$0xFFFFFF80]  }
0x48: {  	v24 =	vmul.f32 v24, v24;
	v16 =	vadd.f32 v16, v19;
	v19 =	vmul.f32 v25, v25  }
0x49: {  	s23 =	simm.s32 $0xE0;
	v25 =	vld [tilespmem:s22+$0xFFFFFFE0];
	v7 =	vmin.f32 v8, v7;
	v8 =	vmin.f32 v12, v10;
	v14 =	vsub.f32 v14, v4  }
0x4a: {  	s24 =	sor.u32 $0x70, s23;
	v12 =	vmul.f32 v17, v17;
	[tilespmem:s22+$0x60] =	vst v7;
	v10 =	vsub.f32 v11, v3;
	v11 =	vadd.f32 v22, v23;
	v22 =	vld [tilespmem:s3+$0x0]  }
0x4b: {  	v15 =	vmin.f32 v16, v15;
	v16 =	vsub.f32 v20, v4;
	v20 =	vsub.f32 v26, v2;
	v17 =	vld [tilespmem:s24+$0x0]  }
0x4c: {  	v26 =	vld [tilespmem:s22+$0xFFFFFF80];
	v13 =	vsub.f32 v13, v4;
	v14 =	vmul.f32 v14, v14;
	v9 =	vsub.f32 v9, v3  }
0x4d: {  	s4 =	simm.s32 $0xA0;
	v11 =	vadd.f32 v12, v11;
	v12 =	vld [tilespmem:s0+$0x0];
	v16 =	vmul.f32 v16, v16;
	v10 =	vmul.f32 v10, v10  }
0x4e: {  	s25 =	sor.u32 $0x30, s4;
	[tilespmem:s22+$0x20] =	vst v15;
	v13 =	vmul.f32 v13, v13;
	v14 =	vadd.f32 v19, v14;
	v19 =	vld [tilespmem:s22+$0xFFFFFFC0];
	v23 =	vmul.f32 v9, v9  }
0x4f: {  	v10 =	vadd.f32 v10, v16;
	v16 =	vmul.f32 v18, v18;
	v18 =	vmul.f32 v21, v21;
	v21 =	vld [tilespmem:s25+$0x0]  }
0x50: {  	v9 =	vsub.f32 v17, v4;
	v13 =	vadd.f32 v23, v13;
	v17 =	vmul.f32 v20, v20;
	v20 =	vld [tilespmem:s22+$0xFFFFFFA0]  }
0x51: {  	v6 =	vimm.s32 $0x0;
	v22 =	vsub.f32 v22, v4;
	v14 =	vadd.f32 v24, v14;
	v23 =	vld [tilespmem:s25+$0x8000]  }
0x52: {  	s5 =	simm.s32 $0x60;
	v11 =	vmin.f32 v11, v25;
	v24 =	vld [tilespmem:s22+$0x0];
	v12 =	vsub.f32 v12, v2;
	v13 =	vadd.f32 v17, v13  }
0x53: {  	s29 =	sor.u32 $0x70, s5;
	[tilespmem:s22+$0xFFFFFFE0] =	vst v11;
	v16 =	vadd.f32 v16, v10;
	v17 =	vmul.f32 v22, v22;
	v22 =	vld [tilespmem:s25+$0x4000];
	v14 =	vmin.f32 v14, v19  }
0x54: {  	v25 =	vld [tilespmem:s29+$0x4000];
	v12 =	vmul.f32 v12, v12;
	v21 =	vsub.f32 v21, v4;
	v13 =	vmin.f32 v13, v26  }
0x55: {  	s16 =	simm.s32 $0x0;
	v17 =	vadd.f32 v18, v17;
	vm0 =	vgt.f32 v13, v5;
	v16 =	vmin.f32 v16, v20;
	v20 =	vld [tilespmem:s29+$0x0]  }
0x56: {  	s6 =	simm.s32 $0xC0;
	v18 =	vmax.f32 v5, v13;
	[tilespmem:s22+$0xFFFFFF80] =	vst v13;
	v13 =	vld [tilespmem:s29+$0x8000];
	v23 =	vsub.f32 v23, v2;
	v19 =	vsel vm0, s16, v6  }
0x57: {  	s26 =	sor.u32 $0x50, s6;
	s5 =	simm.s32 $0x2;
	s6 =	simm.s32 $0x40;
	vm12 =	vgt.f32 v16, v18;
	v18 =	vmax.f32 v18, v16;
	v27 =	vld [tilespmem:s0+$0xFFFFFF90];
	v12 =	vadd.f32 v12, v17  }
0x58: {  	s4 =	sor.u32 $0x50, s6;
	[tilespmem:s22+$0xFFFFFFC0] =	vst v14;
	s16 =	simm.s32 $0x20;
	v29 =	vld [tilespmem:s1+$0xFFFFFF90];
	v19 =	vsel vm12, s5, v19;
	v26 =	vmax.f32 v18, v14;
	v22 =	vsub.f32 v22, v3  }
0x59: {  	[tilespmem:s22+$0xFFFFFFA0] =	vst v16;
	vm13 =	vgt.f32 v14, v18;
	v14 =	vmul.f32 v21, v21;
	s5 =	sor.u32 $0x30, s16;
	v21 =	vld [tilespmem:s4+$0x8000];
	v18 =	vmul.f32 v23, v23  }
0x5a: {  	v23 =	vsub.f32 v25, v3;
	vm1 =	vgt.f32 v11, v26;
	v25 =	vld [tilespmem:s5+$0x0];
	v16 =	vmul.f32 v22, v22  }
0x5b: {  	v11 =	vmax.f32 v26, v11;
	v12 =	vmin.f32 v12, v24;
	v26 =	vld [tilespmem:s3+$0xFFFFFF90];
	v17 =	vsub.f32 v20, v4  }
0x5c: {  	s16 =	simm.s32 $0x4;
	v22 =	vld [tilespmem:s5+$0x8000];
	vm2 =	vgt.f32 v12, v11;
	v13 =	vsub.f32 v13, v2;
	v14 =	vadd.f32 v16, v14  }
0x5d: {  	s6 =	simm.s32 $0x6;
	[tilespmem:s22+$0x0] =	vst v12;
	v20 =	vld [tilespmem:s4+$0x0];
	v16 =	vsel vm13, s16, v19;
	v24 =	vmul.f32 v17, v17;
	v17 =	vmax.f32 v11, v12  }
0x5e: {  	v31 =	vld [tilespmem:s0+$0x10];
	v16 =	vsel vm1, s6, v16;
	v12 =	vsub.f32 v27, v2;
	v21 =	vsub.f32 v21, v2  }
0x5f: {  	v19 =	vld [tilespmem:s4+$0x4000];
	s6 =	simm.s32 $0x8;
	vm3 =	vgt.f32 v15, v17;
	v11 =	vadd.f32 v18, v14;
	v18 =	vmul.f32 v23, v23  }
0x60: {  	v14 =	vld [tilespmem:s5+$0x4000];
	v23 =	vmax.f32 v17, v15;
	v17 =	vmul.f32 v13, v13;
	v15 =	vsel vm2, s6, v16  }
0x61: {  	v27 =	vld [tilespmem:s1+$0x10];
	vm14 =	vgt.f32 v8, v23;
	v16 =	vmul.f32 v12, v12;
	v22 =	vsub.f32 v22, v2  }
0x62: {  	[tilespmem:s22+$0x40] =	vst v8;
	s16 =	simm.s32 $0xA;
	v12 =	vmax.f32 v23, v8;
	v8 =	vsub.f32 v26, v4;
	v18 =	vadd.f32 v18, v24;
	v24 =	vld [tilespmem:s3+$0x10]  }
0x63: {  	v28 =	vsel vm3, s16, v15;
	v26 =	vsub.f32 v29, v3;
	v13 =	vsub.f32 v20, v4  }
0x64: {  	v10 =	vld [tilespmem:s26+$0x0];
	vm15 =	vgt.f32 v7, v12;
	v30 =	vsub.f32 v19, v3;
	v19 =	vsub.f32 v25, v4  }
0x65: {  	v20 =	vld [tilespmem:s26+$0x4000];
	v32 =	vmul.f32 v22, v22;
	v23 =	vmul.f32 v8, v8;
	v25 =	vsub.f32 v14, v3  }
0x66: {  	v31 =	vsub.f32 v31, v2;
	v22 =	vld [tilespmem:s24+$0x8000];
	v15 =	vmul.f32 v13, v13;
	v8 =	vmul.f32 v19, v19  }
0x67: {  	s6 =	simm.s32 $0xC;
	v13 =	vld [tilespmem:s4+$0xC000];
	v19 =	vsub.f32 v27, v3;
	v25 =	vmul.f32 v25, v25;
	v24 =	vsub.f32 v24, v4  }
0x68: {  	v14 =	vmul.f32 v21, v21;
	v21 =	vld [tilespmem:s26+$0x8000];
	v27 =	vsel vm14, s6, v28;
	v28 =	vmul.f32 v26, v26  }
0x69: {  	s30 =	simm.s32 $0xF;
	s16 =	simm.s32 $0xE;
	v26 =	vld [tilespmem:s24+$0x4000];
	v33 =	vmul.f32 v19, v19;
	v29 =	vmul.f32 v24, v24;
	v25 =	vadd.f32 v25, v8  }
0x6a: {  	s31 =	simm.s32 $0x0;
	s28 =	simm.s32 $0xF;
	s0 =	simm.s32 $0x180;
	v19 =	vld [tilespmem:s22+$0x10];
	v24 =	vmul.f32 v30, v30;
	v8 =	vsel vm15, s16, v27  }
0x6b: {  	s1 =	simm.s32 $0xC180;
	s3 =	simm.s32 $0x4180;
	v27 =	vld [tilespmem:s5+$0xC000];
	v30 =	vmul.f32 v31, v31;
	s16 =	simm.s32 $0x8180;
	v25 =	vadd.f32 v32, v25;
	v29 =	vadd.f32 v33, v29  }
.LBB2_5:
0x6c: {  	s31 =	sadd.s32 $0x8, s31;
	v31 =	vld [tilespmem:s22+$0xFFFFFF90];
	v17 =	vadd.f32 v17, v18;
	v10 =	vsub.f32 v10, v4;
	v12 =	vmax.f32 v12, v7;
	s30 =	sadd.s32 $0x10, s30;
	s23 =	sadd.s32 $0x100, s23  }
0x6d: {  	v18 =	vsub.f32 v20, v3;
	v20 =	vmul.f32 v9, v9;
	p0 =	slt.u32 s31, $0x1F8;
	v7 =	vadd.f32 v30, v29;
	v29 =	vld [tilespmem:s24+$0xC000]  }
0x6e: {  	v23 =	vadd.f32 v28, v23;
	v21 =	vsub.f32 v21, v2;
	v9 =	vld [tilespmem:s16+$0xFFFFFFE0];
	v10 =	vmul.f32 v10, v10  }
0x6f: {  	v22 =	vsub.f32 v22, v2;
	v18 =	vmul.f32 v18, v18;
	v28 =	vld [tilespmem:s26+$0xC000];
	v26 =	vsub.f32 v26, v3  }
0x70: {  	v16 =	vadd.f32 v16, v23;
	v21 =	vmul.f32 v21, v21;
	v23 =	vmin.f32 v25, v27;
	v25 =	vld [tilespmem:s29+$0xC000]  }
0x71: {  	v15 =	vadd.f32 v24, v15;
	v10 =	vadd.f32 v18, v10;
	[tilespmem:s5+$0xC000] =	vst v23;
	v24 =	vld [tilespmem:s25+$0xC000];
	v18 =	vmul.f32 v26, v26  }
0x72: {  	v22 =	vmul.f32 v22, v22;
	v16 =	vmin.f32 v16, v31;
	v26 =	vld [tilespmem:s16+$0xFFFFFFA0]  }
0x73: {  	s5 =	sadd.s32 $0xFFFFFFF2, s28;
	vm0 =	vgt.f32 v16, v5;
	v9 =	vsub.f32 v9, v2;
	v27 =	vld [tilespmem:s1+$0x60];
	[tilespmem:s22+$0xFFFFFF90] =	vst v16;
	v18 =	vadd.f32 v18, v20  }
0x74: {  	v7 =	vmin.f32 v7, v19;
	v19 =	vadd.f32 v21, v10;
	v6 =	vsel vm0, s5, v6;
	v20 =	vld [tilespmem:s16+$0x60]  }
0x75: {  	v5 =	vmax.f32 v5, v16;
	v21 =	vld [tilespmem:s3+$0x60];
	v16 =	vmin.f32 v17, v25;
	[tilespmem:s22+$0x10] =	vst v7;
	v10 =	vadd.f32 v22, v18;
	s22 =	smov.u32 s1  }
0x76: {  	v14 =	vadd.f32 v14, v15;
	vm0 =	vgt.f32 v23, v5;
	s5 =	sadd.s32 $0xFFFFFFF4, s28;
	v17 =	vld [tilespmem:s1+$0x40];
	[tilespmem:s29+$0xC000] =	vst v16;
	v15 =	vmin.f32 v11, v24  }
0x77: {  	v6 =	vsel vm0, s5, v6;
	v18 =	vld [tilespmem:s0+$0x60];
	[tilespmem:s25+$0xC000] =	vst v15;
	v22 =	vmin.f32 v10, v29  }
0x78: {  	v13 =	vmin.f32 v14, v13;
	v5 =	vmax.f32 v5, v23;
	v10 =	vsub.f32 v26, v2;
	v11 =	vld [tilespmem:s1+$0x0];
	[tilespmem:s24+$0xC000] =	vst v22  }
0x79: {  	vm0 =	vgt.f32 v13, v5;
	v5 =	vmax.f32 v5, v13;
	v14 =	vld [tilespmem:s16+$0x40];
	[tilespmem:s4+$0xC000] =	vst v13;
	s4 =	sadd.s32 $0xFFFFFFF6, s28;
	v13 =	vmin.f32 v19, v28  }
0x7a: {  	v19 =	vld [tilespmem:s3+$0x40];
	v6 =	vsel vm0, s4, v6;
	vm0 =	vgt.f32 v16, v5;
	v5 =	vmax.f32 v5, v16;
	s4 =	sadd.s32 $0xFFFFFFF8, s28;
	[tilespmem:s26+$0xC000] =	vst v13  }
0x7b: {  	v16 =	vld [tilespmem:s0+$0x40];
	v6 =	vsel vm0, s4, v6;
	vm0 =	vgt.f32 v7, v5;
	v5 =	vmax.f32 v5, v7;
	s4 =	sadd.s32 $0xFFFFFFFA, s28  }
0x7c: {  	v23 =	vld [tilespmem:s1+$0x20];
	v6 =	vsel vm0, s4, v6;
	vm0 =	vgt.f32 v15, v5;
	v5 =	vmax.f32 v5, v15;
	s4 =	sadd.s32 $0xFFFFFFFC, s28  }
0x7d: {  	v7 =	vld [tilespmem:s16+$0x20];
	v6 =	vsel vm0, s4, v6;
	vm0 =	vgt.f32 v13, v5;
	v5 =	vmax.f32 v5, v13;
	s4 =	sadd.s32 $0xFFFFFFFE, s28  }
0x7e: {  	v13 =	vld [tilespmem:s3+$0x20];
	v6 =	vsel vm0, s4, v6;
	vm0 =	vgt.f32 v22, v5;
	v5 =	vmax.f32 v5, v22  }
0x7f: {  	v14 =	vsub.f32 v14, v2;
	v15 =	vld [tilespmem:s0+$0x20];
	v19 =	vsub.f32 v19, v3;
	v6 =	vsel vm0, s28, v6;
	s28 =	smov.u32 s30  }
0x80: {  	v18 =	vsub.f32 v18, v4;
	v22 =	vld [tilespmem:s3+$0x0];
	v16 =	vsub.f32 v16, v4  }
0x81: {  	v20 =	vsub.f32 v20, v2;
	v21 =	vsub.f32 v21, v3;
	v24 =	vld [tilespmem:s3+$0xFFFFFFE0];
	v19 =	vmul.f32 v19, v19  }
0x82: {  	v18 =	vmul.f32 v18, v18;
	v25 =	vld [tilespmem:s0+$0xFFFFFFE0];
	v7 =	vsub.f32 v7, v2;
	v16 =	vmul.f32 v16, v16  }
0x83: {  	v20 =	vmul.f32 v20, v20;
	v21 =	vmul.f32 v21, v21;
	v26 =	vld [tilespmem:s16+$0xFFFFFFC0];
	v13 =	vsub.f32 v13, v3  }
0x84: {  	v14 =	vmul.f32 v14, v14;
	v28 =	vld [tilespmem:s3+$0xFFFFFFC0];
	v15 =	vsub.f32 v15, v4;
	v16 =	vadd.f32 v19, v16  }
0x85: {  	v18 =	vadd.f32 v21, v18;
	v19 =	vld [tilespmem:s0+$0xFFFFFFC0];
	v22 =	vsub.f32 v22, v3;
	v13 =	vmul.f32 v13, v13  }
0x86: {  	v21 =	vld [tilespmem:s3+$0xFFFFFFA0];
	v24 =	vsub.f32 v24, v3;
	v15 =	vmul.f32 v15, v15;
	v14 =	vadd.f32 v14, v16  }
0x87: {  	v29 =	vmul.f32 v7, v7;
	v7 =	vadd.f32 v20, v18;
	v16 =	vld [tilespmem:s0+$0xFFFFFF80];
	v25 =	vsub.f32 v25, v4  }
0x88: {  	v18 =	vld [tilespmem:s3+$0xFFFFFF80];
	v20 =	vsub.f32 v26, v2;
	v24 =	vmul.f32 v24, v24;
	v13 =	vadd.f32 v13, v15  }
0x89: {  	v7 =	vmin.f32 v7, v27;
	v15 =	vld [tilespmem:s0+$0xFFFFFFA0];
	v26 =	vsub.f32 v28, v3;
	v25 =	vmul.f32 v25, v25  }
0x8a: {  	s24 =	sor.u32 $0x70, s23;
	v27 =	vld [tilespmem:s16+$0xFFFFFF80];
	v19 =	vsub.f32 v19, v4;
	v28 =	vadd.f32 v29, v13;
	v13 =	vmin.f32 v14, v17;
	[tilespmem:s1+$0x60] =	vst v7  }
0x8b: {  	v9 =	vmul.f32 v9, v9;
	v14 =	vsub.f32 v21, v3;
	v17 =	vadd.f32 v24, v25;
	v21 =	vld [tilespmem:s24+$0x0]  }
0x8c: {  	v24 =	vmul.f32 v26, v26;
	v16 =	vsub.f32 v16, v4;
	v19 =	vmul.f32 v19, v19;
	v25 =	vld [tilespmem:s0+$0x0]  }
0x8d: {  	v23 =	vmin.f32 v28, v23;
	v18 =	vsub.f32 v18, v3;
	v17 =	vadd.f32 v9, v17;
	v26 =	vld [tilespmem:s16+$0x0]  }
0x8e: {  	v16 =	vmul.f32 v16, v16;
	v9 =	vsub.f32 v15, v4;
	v15 =	vadd.f32 v24, v19;
	v19 =	vld [tilespmem:s1+$0xFFFFFFC0]  }
0x8f: {  	v20 =	vmul.f32 v20, v20;
	v24 =	vsub.f32 v27, v2;
	v18 =	vmul.f32 v18, v18;
	v27 =	vld [tilespmem:s1+$0xFFFFFFE0]  }
0x90: {  	s4 =	sadd.s32 $0xFFFFFFC0, s23;
	v14 =	vmul.f32 v14, v14;
	v28 =	vld [tilespmem:s1+$0xFFFFFF80];
	v29 =	vmul.f32 v9, v9;
	v9 =	vsub.f32 v21, v4  }
0x91: {  	s25 =	sor.u32 $0x30, s4;
	v16 =	vadd.f32 v18, v16;
	v18 =	vmul.f32 v24, v24;
	v21 =	vld [tilespmem:s1+$0xFFFFFFA0];
	v24 =	vsub.f32 v25, v4;
	[tilespmem:s1+$0x20] =	vst v23  }
0x92: {  	v10 =	vmul.f32 v10, v10;
	v22 =	vmul.f32 v22, v22;
	v14 =	vadd.f32 v14, v29;
	v25 =	vld [tilespmem:s25+$0x0]  }
0x93: {  	s4 =	sadd.s32 $0xFFFFFFE0, s23;
	v15 =	vadd.f32 v20, v15;
	v16 =	vadd.f32 v18, v16;
	v18 =	vmul.f32 v24, v24;
	v20 =	vld [tilespmem:s25+$0x4000]  }
0x94: {  	s5 =	sadd.s32 $0xFFFFFF80, s23;
	s26 =	sor.u32 $0x50, s4;
	v24 =	vsub.f32 v26, v2;
	v14 =	vadd.f32 v10, v14;
	v17 =	vmin.f32 v17, v27;
	v26 =	vld [tilespmem:s25+$0x8000];
	[tilespmem:s1+$0x40] =	vst v13  }
0x95: {  	s29 =	sor.u32 $0x70, s5;
	v15 =	vmin.f32 v15, v19;
	v16 =	vmin.f32 v16, v28;
	[tilespmem:s1+$0xFFFFFFE0] =	vst v17;
	v18 =	vadd.f32 v22, v18;
	v10 =	vld [tilespmem:s26+$0x0]  }
0x96: {  	s4 =	sadd.s32 $0xFFFFFFF1, s30;
	[tilespmem:s1+$0xFFFFFF80] =	vst v16;
	vm0 =	vgt.f32 v16, v12;
	v12 =	vmax.f32 v12, v16;
	v14 =	vmin.f32 v14, v21;
	v16 =	vld [tilespmem:s29+$0x8000]  }
0x97: {  	v21 =	vmul.f32 v24, v24;
	v8 =	vsel vm0, s4, v8;
	[tilespmem:s1+$0xFFFFFFA0] =	vst v14;
	vm0 =	vgt.f32 v14, v12;
	s4 =	sadd.s32 $0xFFFFFFF3, s30;
	v19 =	vld [tilespmem:s29+$0x0]  }
0x98: {  	v12 =	vmax.f32 v12, v14;
	v22 =	vsub.f32 v25, v4;
	v8 =	vsel vm0, s4, v8;
	s4 =	sadd.s32 $0xFFFFFF60, s23;
	[tilespmem:s1+$0xFFFFFFC0] =	vst v15;
	v14 =	vld [tilespmem:s29+$0x4000]  }
0x99: {  	s5 =	sadd.s32 $0xFFFFFF40, s23;
	v25 =	vmax.f32 v12, v15;
	v20 =	vsub.f32 v20, v3;
	v24 =	vld [tilespmem:s16+$0xFFFFFF90];
	s4 =	sor.u32 $0x50, s4;
	v26 =	vsub.f32 v26, v2  }
0x9a: {  	s5 =	sor.u32 $0x30, s5;
	vm0 =	vgt.f32 v15, v12;
	v15 =	vadd.f32 v21, v18;
	v18 =	vmul.f32 v22, v22;
	v12 =	vld [tilespmem:s4+$0x8000]  }
0x9b: {  	vm1 =	vgt.f32 v17, v25;
	v17 =	vmax.f32 v25, v17;
	v20 =	vmul.f32 v20, v20;
	v21 =	vld [tilespmem:s5+$0x8000]  }
0x9c: {  	v11 =	vmin.f32 v15, v11;
	v15 =	vmul.f32 v26, v26;
	v22 =	vld [tilespmem:s0+$0xFFFFFF90];
	v19 =	vsub.f32 v19, v4  }
0x9d: {  	s6 =	sadd.s32 $0xFFFFFFF5, s30;
	vm2 =	vgt.f32 v11, v17;
	v18 =	vadd.f32 v20, v18;
	v25 =	vld [tilespmem:s4+$0x0];
	v14 =	vsub.f32 v14, v3  }
0x9e: {  	v8 =	vsel vm0, s6, v8;
	v17 =	vmax.f32 v17, v11;
	v20 =	vld [tilespmem:s4+$0x4000];
	v19 =	vmul.f32 v19, v19  }
0x9f: {  	s6 =	sadd.s32 $0xFFFFFFF7, s30;
	v16 =	vsub.f32 v16, v2;
	vm3 =	vgt.f32 v23, v17;
	v26 =	vld [tilespmem:s5+$0x0];
	[tilespmem:s1+$0x0] =	vst v11;
	v11 =	vadd.f32 v15, v18  }
0xa0: {  	v8 =	vsel vm1, s6, v8;
	v23 =	vmax.f32 v17, v23;
	v14 =	vmul.f32 v14, v14;
	v27 =	vld [tilespmem:s5+$0x4000]  }
0xa1: {  	s6 =	sadd.s32 $0xFFFFFFF9, s30;
	v17 =	vmul.f32 v16, v16;
	vm0 =	vgt.f32 v13, v23;
	v15 =	vsub.f32 v24, v2;
	v24 =	vld [tilespmem:s3+$0x10]  }
0xa2: {  	v8 =	vsel vm2, s6, v8;
	s6 =	sadd.s32 $0xFFFFFFFB, s30;
	v18 =	vadd.f32 v14, v19;
	v25 =	vsub.f32 v25, v4;
	v19 =	vld [tilespmem:s0+$0x10]  }
0xa3: {  	v8 =	vsel vm3, s6, v8;
	v16 =	vmul.f32 v15, v15;
	v14 =	vsub.f32 v12, v2;
	v28 =	vld [tilespmem:s3+$0xFFFFFF90]  }
0xa4: {  	v21 =	vsub.f32 v21, v2;
	v29 =	vsub.f32 v20, v3;
	v15 =	vmul.f32 v25, v25;
	v20 =	vld [tilespmem:s26+$0x4000]  }
0xa5: {  	v12 =	vmax.f32 v23, v13;
	v25 =	vsub.f32 v26, v4;
	v26 =	vsub.f32 v27, v3;
	v27 =	vld [tilespmem:s16+$0x10]  }
0xa6: {  	v22 =	vsub.f32 v22, v4;
	v30 =	vmul.f32 v21, v21;
	v14 =	vmul.f32 v14, v14;
	v13 =	vld [tilespmem:s4+$0xC000]  }
0xa7: {  	vm1 =	vgt.f32 v7, v12;
	v26 =	vmul.f32 v26, v26;
	v19 =	vsub.f32 v19, v4;
	v21 =	vld [tilespmem:s26+$0x8000]  }
.Ltmp1:
0xa8: {  	s6 =	sadd.s32 $0xFFFFFFFD, s30;
	v23 =	vmul.f32 v22, v22;
	v25 =	vmul.f32 v25, v25;
	v24 =	vsub.f32 v24, v3;
	v22 =	vld [tilespmem:s24+$0x8000];
	(pc) =	sbr.rel @p0 .LBB2_5-.Ltmp1, $4  }
0xa9: {  	v8 =	vsel vm0, s6, v8;
	v28 =	vsub.f32 v28, v3;
	v31 =	vmul.f32 v19, v19  }
0xaa: {  	s6 =	sadd.s32 $0xFFFFFFFF, s30;
	v33 =	vmul.f32 v24, v24;
	v25 =	vadd.f32 v26, v25;
	v32 =	vsub.f32 v27, v2;
	v19 =	vld [tilespmem:s1+$0x10]  }
0xab: {  	s0 =	sadd.s32 $0x100, s0;
	v8 =	vsel vm1, s6, v8;
	v24 =	vmul.f32 v29, v29;
	v28 =	vmul.f32 v28, v28;
	v26 =	vld [tilespmem:s24+$0x4000]  }
0xac: {  	s3 =	sadd.s32 $0x100, s3;
	s16 =	sadd.s32 $0x100, s16;
	s1 =	sadd.s32 $0x100, s1;
	v25 =	vadd.f32 v30, v25;
	v29 =	vadd.f32 v33, v31;
	v27 =	vld [tilespmem:s5+$0xC000];
	v30 =	vmul.f32 v32, v32  }
0xad: {  	v17 =	vadd.f32 v17, v18;
	v4 =	vsub.f32 v10, v4  }
0xae: {  	v31 =	vld [tilespmem:s22+$0xFFFFFF90];
	v52 =	vadd.f32 v28, v23;
	v20 =	vsub.f32 v20, v3  }
0xaf: {  	v9 =	vmul.f32 v9, v9;
	v21 =	vsub.f32 v21, v2;
	v2 =	vsub.f32 v22, v2;
	v55 =	vld [tilespmem:s29+$0xC000]  }
0xb0: {  	v56 =	vld [tilespmem:s25+$0xC000];
	v15 =	vadd.f32 v24, v15;
	v4 =	vmul.f32 v4, v4;
	v3 =	vsub.f32 v26, v3  }
0xb1: {  	v51 =	vadd.f32 v30, v29;
	v53 =	vmul.f32 v20, v20;
	v21 =	vmul.f32 v21, v21  }
0xb2: {  	v16 =	vadd.f32 v16, v52;
	v2 =	vmul.f32 v2, v2;
	v3 =	vmul.f32 v3, v3  }
0xb3: {  	v58 =	vld [tilespmem:s26+$0xC000];
	v59 =	vmin.f32 v51, v19;
	v54 =	vmin.f32 v25, v27;
	v4 =	vadd.f32 v53, v4  }
0xb4: {  	v57 =	vld [tilespmem:s24+$0xC000];
	v16 =	vmin.f32 v16, v31;
	v61 =	vmin.f32 v17, v55;
	v3 =	vadd.f32 v3, v9  }
0xb5: {  	v11 =	vmin.f32 v11, v56;
	vm0 =	vgt.f32 v16, v5;
	v4 =	vadd.f32 v21, v4  }
0xb6: {  	s0 =	sadd.s32 $0xFFFFFFF2, s28;
	v60 =	vmax.f32 v5, v16;
	v2 =	vadd.f32 v2, v3;
	v3 =	vadd.f32 v14, v15  }
0xb7: {  	s1 =	sadd.s32 $0xFFFFFFF4, s28;
	v6 =	vsel vm0, s0, v6;
	vm7 =	vgt.f32 v54, v60;
	v5 =	vmax.f32 v60, v54  }
0xb8: {  	v6 =	vsel vm7, s1, v6;
	v4 =	vmin.f32 v4, v58;
	v3 =	vmin.f32 v3, v13  }
0xb9: {  	s3 =	sadd.s32 $0xFFFFFFF6, s28;
	v2 =	vmin.f32 v2, v57;
	vm8 =	vgt.f32 v3, v5;
	v5 =	vmax.f32 v5, v3  }
0xba: {  	s6 =	sadd.s32 $0xFFFFFFF8, s28;
	v6 =	vsel vm8, s3, v6;
	vm9 =	vgt.f32 v61, v5;
	v5 =	vmax.f32 v5, v61  }
0xbb: {  	s16 =	sadd.s32 $0xFFFFFFFA, s28;
	v6 =	vsel vm9, s6, v6;
	vm10 =	vgt.f32 v59, v5;
	v5 =	vmax.f32 v5, v59  }
0xbc: {  	s23 =	sadd.s32 $0xFFFFFFFC, s28;
	v6 =	vsel vm10, s16, v6;
	vm11 =	vgt.f32 v11, v5;
	v5 =	vmax.f32 v5, v11  }
0xbd: {  	s30 =	sadd.s32 $0xFFFFFFFE, s28;
	v6 =	vsel vm11, s23, v6;
	vm12 =	vgt.f32 v4, v5;
	v5 =	vmax.f32 v5, v4  }
0xbe: {  	v6 =	vsel vm12, s30, v6;
	vm13 =	vgt.f32 v2, v5  }
0xbf: {  	v7 =	vmax.f32 v12, v7;
	v5 =	vmax.f32 v5, v2;
	v6 =	vsel vm13, s28, v6  }
0xc0: {  	vm14 =	veq.f32 v5, v7;
	vm1 =	vlt.s32 v6, v8  }
0xc1: {  	vm2 =	vgt.f32 v5, v7;
	vm0 =	vmand vm14, vm1  }
0xc2: {  	vm0 =	vmor vm2, vm0  }
0xc3: {  	v5 =	vsel vm0, v5, v7  }
0xc4: {  	(xrf0) =	vmax.scan.msk.f32 $0xffff, v5;
	_ =	sdelay $0x5  }
0xc5: {  	v62, _, _ =	vpop (xrf0)  }
0xc6: {  	v6 =	vsel vm0, v6, v8;
	v7 =	vbroadcast v62, $0xF  }
0xc7: {  	v6 =	vshll.u32 v6, $0x4  }
0xc8: {  	v63 =	vxor.u32 v1, v6;
	vm15 =	veq.f32 v5, v7  }
0xc9: {  	v5 =	vnsel vm15, $0x80004000, v63  }
0xca: {  	(xrf0) =	vmin.scan.msk.u32 $0xffff, v5;
	_ =	sdelay $0x5  }
0xcb: {  	v5, _, _ =	vpop (xrf0)  }
0xcc: {  	(v2sf) =	vpush v5, $0xF;
	_ =	sdelay $0x9  }
0xcd: {  	[tilespmem:s22+$0x10] =	vst v59  }
0xce: {  	s21 =	sadd.s32 $0x1, s21;
	[tilespmem:s5+$0xC000] =	vst v54  }
0xcf: {  	p0 =	sne.s32 s21, $0x80;
	[tilespmem:s22+$0xFFFFFF90] =	vst v16  }
.Ltmp2:
0xd0: {  	[tilespmem:s29+$0xC000] =	vst v61;
	(pc) =	sbr.rel @p0 .LBB2_4-.Ltmp2, $4  }
0xd1: {  	[tilespmem:s25+$0xC000] =	vst v11  }
0xd2: {  	[tilespmem:s26+$0xC000] =	vst v4;
	s31 =	spop (v2sf)  }
0xd3: {  	[tilespmem:s24+$0xC000] =	vst v2;
	s0 =	sxor.u32 $0x80000000, s31  }
0xd4: {  	[tilespmem:s4+$0xC000] =	vst v3;
	v2 =	vmov s0  }
0xd5: {  	[hbm4b:s7+s2] =	stream.linear.scatter [tilespmem:s17], [sflag:$0x1], $0x80, $0x38;
	[tilespmem:$0x10200] =	vst v63  }
0xd6: {  	_ =	swait.ge [sflag:s13], $0x80  }
0xd7: {  	[sflag:s13] =	ssyncset.done $0x0  }
0xd8: {  	[sflag:s13] =	ssyncadd.s32 $0xFFFFFF80  }
0xd9: {  	[hbm4b:s8+s2] =	stream.linear.scatter [tilespmem:s18], [sflag:$0x1], $0x80, $0x38;
	[tilespmem:$0x10200] =	vst v63  }
0xda: {  	s20 =	sadd.s32 $0x1, s20;
	_ =	swait.ge [sflag:s13], $0x80  }
0xdb: {  	p0 =	sne.s32 s20, s10;
	[sflag:s13] =	ssyncset.done $0x0  }
.Ltmp3:
0xdc: {  	[sflag:s13] =	ssyncadd.s32 $0xFFFFFF80;
	(pc) =	sbr.rel @p0 .LBB2_1-.Ltmp3, $4  }
0xdd: {  	[hbm4b:s9+s2] =	stream.linear.scatter [tilespmem:s19], [sflag:$0x1], $0x80, $0x38;
	[tilespmem:$0x10200] =	vst v63  }
0xde: {  	_ =	swait.ge [sflag:s13], $0x80  }
0xdf: {  	[sflag:s13] =	ssyncset.done $0x0  }
0xe0: {  	[sflag:s13] =	ssyncadd.s32 $0xFFFFFF80  }
0xe1: {  	_ =	sfence.sel $0x180000  }
0xe2: {  	[bflag:$0x0] =	sbarrier.arrive $0xFFFF  }
0xe3: {  	_ =	strace $0x90000047  }
0xe4: {  	s0 =	stileid.u32;
	[bflag:$0x2] =	sbarrier.arrive $0xFFFF  }
0xe5: {  	p0 =	sne.s32 s0, $0x0;
	s0 =	rddreg [dreg:$0x1]  }
0xe6: {  	s0 =	sadd.s32 @!p0 $0x100000, s0  }
0xe7: {  	[sflag:s0] =	ssyncadd.tile.s32 @!p0 $0x1;
	_ =	shalt  }
.Lfunc_end2:
_tile_overlayer_lowered:
.L_overlay_start_2:
0xe8: {  	(tag) =	ssettag $0x2  }
0xe9: {  	s0 =	rddreg [dreg:$0x0];
	s2 =	stileid.u32  }
0xea: {  	s1 =	rddreg [dreg:$0x1];
	p0 =	sne.s32 s2, $0x0  }
0xeb: {  	s3 =	rddreg [dreg:$0x2];
	[bflag:$0x3] =	sbarrier.arrive $0xFFFF;
	s2 =	simm.s32 @!p0 $0x1C01  }
0xec: {  	[timem:s3], [sflag:s2] =	dma.local @!p0 [hbm:s0], s1  }
0xed: {  	s0 =	simm.s32 @!p0 $0x1  }
0xee: {  	_ =	swait.ge @!p0 [sflag:s0], s1  }
0xef: {  	s1 =	ssub.s32 @!p0 $0x0, s1;
	[sflag:s0] =	ssyncset.done @!p0 $0x0  }
0xf0: {  	[sflag:s0] =	ssyncadd.s32 @!p0 s1  }
0xf1: {  	[bflag:$0x3] =	sbarrier.arrive $0xFFFF  }
0xf2: {  	_ =	shalt  }

</sc_bundles>
